<compile_context>
chip_gen: v7x
topology: tpu7x:2x2x1
jax: 0.10.2.dev20260603
libtpu: 0.0.44.dev20260713+nightly
codegen_flags: <defaults>
</compile_context>

<pallas_src>
import functools

import jax
import jax.numpy as jnp
from jax import lax
from jax.experimental import pallas as pl
from jax.experimental.pallas import tpu as pltpu
from jax.experimental.pallas import tpu_sc as plsc

NC = 2
NS = 16
NW = NC * NS
LANES = 16
C = 128


def _cdiv(a, b):
  return (a + b - 1) // b


def _make_sc_compact(N, NP, ET, ETP):
  mesh = plsc.VectorSubcoreMesh(
      core_axis_name="c", subcore_axis_name="s", num_cores=NC,
      num_subcores=NS)

  @functools.partial(
      pl.kernel,
      mesh=mesh,
      compiler_params=pltpu.CompilerParams(needs_layout_passes=False),
      out_type=[
          jax.ShapeDtypeStruct((2, NW, ETP), jnp.int32),
          jax.ShapeDtypeStruct((2, NW, ETP), jnp.int32),
          jax.ShapeDtypeStruct((2, NW, 16), jnp.int32),
      ],
      scratch_types=[
          pltpu.VMEM((ET,), jnp.int32),
          pltpu.VMEM((ET,), jnp.int32),
          pltpu.VMEM((ET,), jnp.int32),
          pltpu.VMEM((ETP + LANES,), jnp.int32),
          pltpu.VMEM((ETP + LANES,), jnp.int32),
          pltpu.VMEM((ETP + LANES,), jnp.int32),
          pltpu.VMEM((ETP + LANES,), jnp.int32),
          pltpu.VMEM((16,), jnp.int32),
      ],
  )
  def sc_compact(src_hbm, dst_hbm, attr_hbm, gl_hbm, sl_hbm, cnt_hbm,
                 edg_s, edg_d, edg_a, g1, s1, g2, s2, cbuf):
    cid = lax.axis_index("c")
    sid = lax.axis_index("s")
    wid = cid * NS + sid
    base = wid * ET

    pltpu.sync_copy(src_hbm.at[pl.ds(base, ET)], edg_s)
    pltpu.sync_copy(dst_hbm.at[pl.ds(base, ET)], edg_d)
    pltpu.sync_copy(attr_hbm.at[pl.ds(base, ET)], edg_a)

    lane = lax.iota(jnp.int32, LANES)
    trash = ETP

    def scan(i, cnts):
      c1, c2 = cnts
      s = edg_s[pl.ds(i * LANES, LANES)]
      d = edg_d[pl.ds(i * LANES, LANES)]
      a = edg_a[pl.ds(i * LANES, LANES)]
      m1 = a == 1
      m2 = a == 2
      i1 = m1.astype(jnp.int32)
      i2 = m2.astype(jnp.int32)
      pos1 = jnp.where(m1, c1 + plsc.cumsum(i1) - 1, trash + lane)
      pos2 = jnp.where(m2, c2 + plsc.cumsum(i2) - 1, trash + lane)
      plsc.store_scatter(g1, [pos1], s)
      plsc.store_scatter(s1, [pos1], d)
      plsc.store_scatter(g2, [pos2], s + NP)
      plsc.store_scatter(s2, [pos2], d)
      c1 = c1 + jnp.sum(i1)
      c2 = c2 + jnp.sum(i2)
      return (c1, c2)

    c1, c2 = lax.fori_loop(0, ET // LANES, scan, (jnp.int32(0), jnp.int32(0)))

    gdum = jnp.zeros((LANES,), jnp.int32)
    sdum = jnp.full((LANES,), N, jnp.int32)
    for t in range(C // LANES):
      g1[pl.ds(c1 + t * LANES, LANES)] = gdum
      s1[pl.ds(c1 + t * LANES, LANES)] = sdum
      g2[pl.ds(c2 + t * LANES, LANES)] = gdum
      s2[pl.ds(c2 + t * LANES, LANES)] = sdum

    pltpu.sync_copy(g1.at[pl.ds(0, ETP)], gl_hbm.at[0, wid])
    pltpu.sync_copy(s1.at[pl.ds(0, ETP)], sl_hbm.at[0, wid])
    pltpu.sync_copy(g2.at[pl.ds(0, ETP)], gl_hbm.at[1, wid])
    pltpu.sync_copy(s2.at[pl.ds(0, ETP)], sl_hbm.at[1, wid])
    cbuf[...] = jnp.broadcast_to(c1, (16,)).astype(jnp.int32)
    pltpu.sync_copy(cbuf, cnt_hbm.at[0, wid])
    cbuf[...] = jnp.broadcast_to(c2, (16,)).astype(jnp.int32)
    pltpu.sync_copy(cbuf, cnt_hbm.at[1, wid])

  return sc_compact


def _make_sc_pass(nlists, N, NP, D, NCH):
  rows_per_tile = NP // NS

  mesh = plsc.VectorSubcoreMesh(
      core_axis_name="c", subcore_axis_name="s", num_cores=NC,
      num_subcores=NS)

  @functools.partial(
      pl.kernel,
      mesh=mesh,
      compiler_params=pltpu.CompilerParams(needs_layout_passes=False),
      out_type=jax.ShapeDtypeStruct((NC, NP, D), jnp.float32),
      scratch_types=[
          pltpu.VMEM((NCH, C), jnp.int32),
          pltpu.VMEM((NCH, C), jnp.int32),
          pltpu.VMEM((16,), jnp.int32),
          pltpu.VMEM((C, D), jnp.float32),
          pltpu.VMEM_SHARED((NP, D), jnp.float32),
          pltpu.SemaphoreType.DMA,
          pltpu.SemaphoreType.DMA,
      ],
  )
  def sc_pass(gl_hbm, sl_hbm, cnt_hbm, table_hbm, zeros_hbm, out_hbm,
              gb, sb, cbuf, rows, acc, sem, zsem):
    cid = lax.axis_index("c")
    sid = lax.axis_index("s")
    wid = cid * NS + sid

    dz = pltpu.async_copy(zeros_hbm,
                          acc.at[pl.ds(sid * rows_per_tile, rows_per_tile)],
                          zsem)
    first = True
    for l in range(nlists):
      pltpu.sync_copy(cnt_hbm.at[l, wid], cbuf)
      cnt = jnp.max(cbuf[...])
      nch = (cnt + C - 1) // C
      pltpu.sync_copy(gl_hbm.at[l, wid], gb)
      pltpu.sync_copy(sl_hbm.at[l, wid], sb)
      if first:
        dz.wait()
        plsc.subcore_barrier()
        first = False

      def step(j, carry):
        pltpu.async_copy(table_hbm.at[gb.at[j]], rows, sem).wait()
        pltpu.sync_copy(rows, acc.at[sb.at[j]], add=True)
        return carry

      lax.fori_loop(0, nch, step, 0)

    plsc.subcore_barrier()

    pltpu.sync_copy(acc.at[pl.ds(sid * rows_per_tile, rows_per_tile)],
                    out_hbm.at[cid, pl.ds(sid * rows_per_tile,
                                          rows_per_tile)])

  return sc_pass


def _mm_kernel(x, W, b, BM=1024):
  NP, D = x.shape

  def body(x_ref, w_ref, b_ref, o_ref):
    o_ref[...] = jnp.dot(x_ref[...], w_ref[...],
                         preferred_element_type=jnp.float32) + b_ref[...]

  return pl.pallas_call(
      body,
      grid=(NP // BM,),
      in_specs=[
          pl.BlockSpec((BM, D), lambda i: (i, 0)),
          pl.BlockSpec((D, D), lambda i: (0, 0)),
          pl.BlockSpec((1, D), lambda i: (0, 0)),
      ],
      out_specs=pl.BlockSpec((BM, D), lambda i: (i, 0)),
      out_shape=jax.ShapeDtypeStruct((NP, D), jnp.float32),
  )(x, W, b)


def _update_mm2_kernel(x, p, W1, b1, W2, b2, BM=1024):
  NP, D = x.shape

  def body(x_ref, p_ref, w1_ref, b1_ref, w2_ref, b2_ref,
           x1_ref, h1_ref, h2_ref):
    a = p_ref[0] + p_ref[1]
    x1 = x_ref[...] + jnp.maximum(a, 0.0)
    nrm = jnp.sqrt(jnp.sum(x1 * x1, axis=1, keepdims=True))
    x1 = x1 / jnp.maximum(nrm, 1e-12)
    x1_ref[...] = x1
    h1_ref[...] = jnp.dot(x1, w1_ref[...],
                          preferred_element_type=jnp.float32) + b1_ref[...]
    h2_ref[...] = jnp.dot(x1, w2_ref[...],
                          preferred_element_type=jnp.float32) + b2_ref[...]

  return pl.pallas_call(
      body,
      grid=(NP // BM,),
      in_specs=[
          pl.BlockSpec((BM, D), lambda i: (i, 0)),
          pl.BlockSpec((2, BM, D), lambda i: (0, i, 0)),
          pl.BlockSpec((D, D), lambda i: (0, 0)),
          pl.BlockSpec((1, D), lambda i: (0, 0)),
          pl.BlockSpec((D, D), lambda i: (0, 0)),
          pl.BlockSpec((1, D), lambda i: (0, 0)),
      ],
      out_specs=[
          pl.BlockSpec((BM, D), lambda i: (i, 0)),
          pl.BlockSpec((BM, D), lambda i: (i, 0)),
          pl.BlockSpec((BM, D), lambda i: (i, 0)),
      ],
      out_shape=[
          jax.ShapeDtypeStruct((NP, D), jnp.float32),
          jax.ShapeDtypeStruct((NP, D), jnp.float32),
          jax.ShapeDtypeStruct((NP, D), jnp.float32),
      ],
  )(x, p, W1, b1, W2, b2)


def _update_kernel(x, p, BM=1024):
  NP, D = x.shape

  def body(x_ref, p_ref, o_ref):
    a = p_ref[0] + p_ref[1]
    x1 = x_ref[...] + jnp.maximum(a, 0.0)
    nrm = jnp.sqrt(jnp.sum(x1 * x1, axis=1, keepdims=True))
    o_ref[...] = x1 / jnp.maximum(nrm, 1e-12)

  return pl.pallas_call(
      body,
      grid=(NP // BM,),
      in_specs=[
          pl.BlockSpec((BM, D), lambda i: (i, 0)),
          pl.BlockSpec((2, BM, D), lambda i: (0, i, 0)),
      ],
      out_specs=pl.BlockSpec((BM, D), lambda i: (i, 0)),
      out_shape=jax.ShapeDtypeStruct((NP, D), jnp.float32),
  )(x, p)


def kernel(x, edge_index, edge_attr, W0, b0, W1, b1, W2, b2):
  N, D = x.shape
  E = edge_index.shape[1]

  NP = _cdiv(N, 1024) * 1024
  EP = _cdiv(E, NW * C) * (NW * C)
  ET = EP // NW
  NCH = ET // C + 1
  ETP = NCH * C

  src = jnp.pad(edge_index[0], (0, EP - E))
  dst = jnp.pad(edge_index[1], (0, EP - E))
  attr = jnp.pad(edge_attr, (0, EP - E))
  xp = jnp.pad(x, ((0, NP - N), (0, 0)))
  b0r = b0.reshape(1, D)
  b1r = b1.reshape(1, D)
  b2r = b2.reshape(1, D)

  zstripe = jnp.zeros((NP // NS, D), jnp.float32)

  compact = _make_sc_compact(N, NP, ET, ETP)
  sc0 = _make_sc_pass(1, N, NP, D, NCH)
  sc1 = _make_sc_pass(2, N, NP, D, NCH)

  gl, sl, cnts = compact(src, dst, attr)
  gl = gl.reshape(2, NW, NCH, C)
  sl = sl.reshape(2, NW, NCH, C)
  h0 = _mm_kernel(xp, W0, b0r)
  p0 = sc0(gl, sl, cnts, h0, zstripe)
  x1, h1, h2 = _update_mm2_kernel(xp, p0, W1, b1r, W2, b2r)
  h12 = jnp.concatenate([h1, h2], axis=0)
  p1 = sc1(gl, sl, cnts, h12, zstripe)
  out = _update_kernel(x1, p1)
  return out[:N]

# --- scband reference (transcript-rebuilt; emitter-appended) ---
"""Pipeline reference for scband-k-gnnstage-43121471652569 (READ-ONLY COPY).

The authoritative reference and input builder live on the scoring server;
editing this copy changes nothing except your own understanding.
"""

import jax, jax.numpy as jnp
import numpy as np

N = 10000
E = 320000
D = 128
L = 2


def setup_inputs(seed: int = 0) -> dict:
    key = jax.random.key(seed)
    ks = jax.random.split(key, 8)
    x = jax.random.normal(ks[0], (N, D), dtype=jnp.float32)
    edge_index = jax.random.randint(ks[1], (2, E), 0, N, dtype=jnp.int32)
    edge_attr = jax.random.randint(ks[2], (E,), 0, 3, dtype=jnp.int32)
    inp = {"x": x, "edge_index": edge_index, "edge_attr": edge_attr}
    # num_layers=2 -> layer0 uses k=1 (W0); layer1 uses k=1 (W1), k=2 (W2)
    for i in range(3):
        inp["W%d" % i] = jax.random.normal(ks[3 + i], (D, D), dtype=jnp.float32) * (1.0 / np.sqrt(D))
        inp["b%d" % i] = jnp.zeros((D,), dtype=jnp.float32)
    return inp


def _gcn(x, W, b, src, dst):
    # GraphConv-style message passing: linear transform then scatter-add over dst
    h = x @ W + b
    return jax.ops.segment_sum(h[src], dst, num_segments=x.shape[0])


def reference(x, edge_index, edge_attr, W0, b0, W1, b1, W2, b2):
    Ws = [W0, W1, W2]
    bs = [b0, b1, b2]
    idx = 0
    h = x
    for t in range(L):
        x_t = h
        acc = jnp.zeros_like(x_t)
        for k in range(1, t + 2):
            mask = edge_attr == k
            src = edge_index[0]
            dst = jnp.where(mask, edge_index[1], x_t.shape[0])
            acc = acc + _gcn(x_t, Ws[idx], bs[idx], src, dst)
            idx += 1
        # x_{t+1} = x_t + relu(sum_k GCN_k(x_t))
        h = x_t + jax.nn.relu(acc)
        # cfg.gnn.l2norm = True
        h = h / jnp.maximum(jnp.linalg.norm(h, axis=-1, keepdims=True), 1e-12)
    return h

if __name__ == "__main__":
    import jax
    _d = setup_inputs()
    print(jax.jit(kernel)(*tuple(_d.values())))

</pallas_src>

<mosaic_0001>
#map = affine_map<(d0, d1) -> (0)>
#map1 = affine_map<(d0, d1) -> (0, 0, 0)>
module attributes {stable_mosaic.version = 14 : i64} {
  func.func @sc_compact(%arg0: i32, %arg1: i32, %arg2: memref<323584xi32, #tpu.memory_space<hbm>>, %arg3: memref<323584xi32, #tpu.memory_space<hbm>>, %arg4: memref<323584xi32, #tpu.memory_space<hbm>>, %arg5: memref<2x32x10240xi32, #tpu.memory_space<hbm>>, %arg6: memref<2x32x10240xi32, #tpu.memory_space<hbm>>, %arg7: memref<2x32x16xi32, #tpu.memory_space<hbm>>, %arg8: memref<10112xi32, #tpu.memory_space<vmem>>, %arg9: memref<10112xi32, #tpu.memory_space<vmem>>, %arg10: memref<10112xi32, #tpu.memory_space<vmem>>, %arg11: memref<10256xi32, #tpu.memory_space<vmem>>, %arg12: memref<10256xi32, #tpu.memory_space<vmem>>, %arg13: memref<10256xi32, #tpu.memory_space<vmem>>, %arg14: memref<10256xi32, #tpu.memory_space<vmem>>, %arg15: memref<16xi32, #tpu.memory_space<vmem>>) attributes {dimension_semantics = [#tpu.dimension_semantics<core_parallel>, #tpu.dimension_semantics<subcore_parallel>], iteration_bounds = array<i64: 2, 16>, scalar_prefetch = 0 : i64, scratch_operands = 8 : i64, tpu.core_type = #tpu.core_type<sc_vector_subcore>, window_params = [{transform_indices = #map}, {transform_indices = #map}, {transform_indices = #map}, {transform_indices = #map1}, {transform_indices = #map1}, {transform_indices = #map1}]} {
    %mul3A = arith.constant 16 : i32
    %mul3A_0 = arith.muli %arg0, %mul3A : i32
    %add3A = arith.addi %mul3A_0, %arg1 : i32
    %mul3A_1 = arith.constant 10112 : i32
    %mul3A_2 = arith.muli %add3A, %mul3A_1 : i32
    "tpu.region"() ({
      %run_scoped3A_151 = tpu.sem_alloc : memref<!tpu.dma_semaphore, #tpu.memory_space<semaphore_mem>>
      %dma_start3A = tpu.memref_slice %arg2[%mul3A_2] : memref<323584xi32, #tpu.memory_space<hbm>> -> memref<10112xi32, #tpu.memory_space<hbm>>
      %dma_start3A_152 = tpu.memref_slice %arg2[%mul3A_2] : memref<323584xi32, #tpu.memory_space<hbm>> -> memref<10112xi32, #tpu.memory_space<hbm>>
      tpu.enqueue_dma source(%dma_start3A_152 : memref<10112xi32, #tpu.memory_space<hbm>>) target(%arg8 : memref<10112xi32, #tpu.memory_space<vmem>>) target_semaphore(%run_scoped3A_151 : memref<!tpu.dma_semaphore, #tpu.memory_space<semaphore_mem>>)
      %dma_wait3A = tpu.memref_slice %arg2[%mul3A_2] : memref<323584xi32, #tpu.memory_space<hbm>> -> memref<10112xi32, #tpu.memory_space<hbm>>
      %dma_wait3A_153 = tpu.memref_slice %arg2[%mul3A_2] : memref<323584xi32, #tpu.memory_space<hbm>> -> memref<10112xi32, #tpu.memory_space<hbm>>
      tpu.wait_dma2 semaphore(%run_scoped3A_151 : memref<!tpu.dma_semaphore, #tpu.memory_space<semaphore_mem>>) src(%dma_wait3A_153 : memref<10112xi32, #tpu.memory_space<hbm>>) dst(%arg8 : memref<10112xi32, #tpu.memory_space<vmem>>)
      tpu.yield
    }) : () -> ()
    "tpu.region"() ({
      %run_scoped3A_151 = tpu.sem_alloc : memref<!tpu.dma_semaphore, #tpu.memory_space<semaphore_mem>>
      %dma_start3A = tpu.memref_slice %arg3[%mul3A_2] : memref<323584xi32, #tpu.memory_space<hbm>> -> memref<10112xi32, #tpu.memory_space<hbm>>
      %dma_start3A_152 = tpu.memref_slice %arg3[%mul3A_2] : memref<323584xi32, #tpu.memory_space<hbm>> -> memref<10112xi32, #tpu.memory_space<hbm>>
      tpu.enqueue_dma source(%dma_start3A_152 : memref<10112xi32, #tpu.memory_space<hbm>>) target(%arg9 : memref<10112xi32, #tpu.memory_space<vmem>>) target_semaphore(%run_scoped3A_151 : memref<!tpu.dma_semaphore, #tpu.memory_space<semaphore_mem>>)
      %dma_wait3A = tpu.memref_slice %arg3[%mul3A_2] : memref<323584xi32, #tpu.memory_space<hbm>> -> memref<10112xi32, #tpu.memory_space<hbm>>
      %dma_wait3A_153 = tpu.memref_slice %arg3[%mul3A_2] : memref<323584xi32, #tpu.memory_space<hbm>> -> memref<10112xi32, #tpu.memory_space<hbm>>
      tpu.wait_dma2 semaphore(%run_scoped3A_151 : memref<!tpu.dma_semaphore, #tpu.memory_space<semaphore_mem>>) src(%dma_wait3A_153 : memref<10112xi32, #tpu.memory_space<hbm>>) dst(%arg9 : memref<10112xi32, #tpu.memory_space<vmem>>)
      tpu.yield
    }) : () -> ()
    "tpu.region"() ({
      %run_scoped3A_151 = tpu.sem_alloc : memref<!tpu.dma_semaphore, #tpu.memory_space<semaphore_mem>>
      %dma_start3A = tpu.memref_slice %arg4[%mul3A_2] : memref<323584xi32, #tpu.memory_space<hbm>> -> memref<10112xi32, #tpu.memory_space<hbm>>
      %dma_start3A_152 = tpu.memref_slice %arg4[%mul3A_2] : memref<323584xi32, #tpu.memory_space<hbm>> -> memref<10112xi32, #tpu.memory_space<hbm>>
      tpu.enqueue_dma source(%dma_start3A_152 : memref<10112xi32, #tpu.memory_space<hbm>>) target(%arg10 : memref<10112xi32, #tpu.memory_space<vmem>>) target_semaphore(%run_scoped3A_151 : memref<!tpu.dma_semaphore, #tpu.memory_space<semaphore_mem>>)
      %dma_wait3A = tpu.memref_slice %arg4[%mul3A_2] : memref<323584xi32, #tpu.memory_space<hbm>> -> memref<10112xi32, #tpu.memory_space<hbm>>
      %dma_wait3A_153 = tpu.memref_slice %arg4[%mul3A_2] : memref<323584xi32, #tpu.memory_space<hbm>> -> memref<10112xi32, #tpu.memory_space<hbm>>
      tpu.wait_dma2 semaphore(%run_scoped3A_151 : memref<!tpu.dma_semaphore, #tpu.memory_space<semaphore_mem>>) src(%dma_wait3A_153 : memref<10112xi32, #tpu.memory_space<hbm>>) dst(%arg10 : memref<10112xi32, #tpu.memory_space<vmem>>)
      tpu.yield
    }) : () -> ()
    %iota3A = tpu.iota {dimensions = array<i32: 0>} : vector<16xi32>
    %scan3A = arith.constant 0 : i32
    %scan3A_3 = arith.constant 0 : i32
    %scan3A_4 = arith.constant 0 : i32
    %scan3A_5 = arith.constant 632 : i32
    %scan3A_6 = arith.addi %scan3A_4, %scan3A_5 : i32
    %scan3A_7 = arith.constant 1 : i32
    %scan3A_8:2 = scf.for %scan3A_151 = %scan3A_4 to %scan3A_6 step %scan3A_7 iter_args(%scan3A_152 = %scan3A, %scan3A_153 = %scan3A_3) -> (i32, i32)  : i32 {
      %mul3A_154 = arith.constant 16 : i32
      %mul3A_155 = arith.muli %scan3A_151, %mul3A_154 : i32
      %get3A = arith.index_cast %mul3A_155 : i32 to index
      %get3A_156 = tpu.vector_load %arg8[%get3A] {strides = array<i32>} : memref<10112xi32, #tpu.memory_space<vmem>>, vector<16xi32>,
      %mul3A_157 = arith.constant 16 : i32
      %mul3A_158 = arith.muli %scan3A_151, %mul3A_157 : i32
      %get3A_159 = arith.index_cast %mul3A_158 : i32 to index
      %get3A_160 = tpu.vector_load %arg9[%get3A_159] {strides = array<i32>} : memref<10112xi32, #tpu.memory_space<vmem>>, vector<16xi32>,
      %mul3A_161 = arith.constant 16 : i32
      %mul3A_162 = arith.muli %scan3A_151, %mul3A_161 : i32
      %get3A_163 = arith.index_cast %mul3A_162 : i32 to index
      %get3A_164 = tpu.vector_load %arg10[%get3A_163] {strides = array<i32>} : memref<10112xi32, #tpu.memory_space<vmem>>, vector<16xi32>,
      %eq3A = arith.constant 1 : i32
      %eq3A_165 = vector.broadcast %eq3A : i32 to vector<16xi32>
      %eq3A_166 = arith.cmpi eq, %get3A_164, %eq3A_165 : vector<16xi32>
      %eq3A_167 = arith.constant 2 : i32
      %eq3A_168 = vector.broadcast %eq3A_167 : i32 to vector<16xi32>
      %eq3A_169 = arith.cmpi eq, %get3A_164, %eq3A_168 : vector<16xi32>
      %convert_element_type3A = arith.extui %eq3A_166 : vector<16xi1> to vector<16xi32>
      %convert_element_type3A_170 = arith.extui %eq3A_169 : vector<16xi1> to vector<16xi32>
      %broadcast_in_dim3A_171 = arith.constant true
      %broadcast_in_dim3A_172 = vector.broadcast %broadcast_in_dim3A_171 : i1 to vector<16xi1>
      %masked_cumsum3A = tpu.scan <sum>, %convert_element_type3A masked %broadcast_in_dim3A_172 : vector<16xi32>, vector<16xi1> -> vector<16xi32>
      %add3A_173 = vector.broadcast %scan3A_152 : i32 to vector<16xi32>
      %add3A_174 = arith.addi %add3A_173, %masked_cumsum3A : vector<16xi32>
      %sub3A = arith.constant 1 : i32
      %sub3A_175 = vector.broadcast %sub3A : i32 to vector<16xi32>
      %sub3A_176 = arith.subi %add3A_174, %sub3A_175 : vector<16xi32>
      %add3A_177 = arith.constant 10240 : i32
      %add3A_178 = vector.broadcast %add3A_177 : i32 to vector<16xi32>
      %add3A_179 = arith.addi %add3A_178, %iota3A : vector<16xi32>
      %select_n3A = arith.select %eq3A_166, %sub3A_176, %add3A_179 : vector<16xi1>, vector<16xi32>
      %broadcast_in_dim3A_180 = arith.constant true
      %broadcast_in_dim3A_181 = vector.broadcast %broadcast_in_dim3A_180 : i1 to vector<16xi1>
      %masked_cumsum3A_182 = tpu.scan <sum>, %convert_element_type3A_170 masked %broadcast_in_dim3A_181 : vector<16xi32>, vector<16xi1> -> vector<16xi32>
      %add3A_183 = vector.broadcast %scan3A_153 : i32 to vector<16xi32>
      %add3A_184 = arith.addi %add3A_183, %masked_cumsum3A_182 : vector<16xi32>
      %sub3A_185 = arith.constant 1 : i32
      %sub3A_186 = vector.broadcast %sub3A_185 : i32 to vector<16xi32>
      %sub3A_187 = arith.subi %add3A_184, %sub3A_186 : vector<16xi32>
      %add3A_188 = arith.constant 10240 : i32
      %add3A_189 = vector.broadcast %add3A_188 : i32 to vector<16xi32>
      %add3A_190 = arith.addi %add3A_189, %iota3A : vector<16xi32>
      %select_n3A_191 = arith.select %eq3A_169, %sub3A_187, %add3A_190 : vector<16xi1>, vector<16xi32>
      tpu.vector_store_idx %arg11[%select_n3A], %get3A_156 : memref<10256xi32, #tpu.memory_space<vmem>>[vector<16xi32>], vector<16xi32>,
      tpu.vector_store_idx %arg12[%select_n3A], %get3A_160 : memref<10256xi32, #tpu.memory_space<vmem>>[vector<16xi32>], vector<16xi32>,
      %add3A_192 = arith.constant 10240 : i32
      %add3A_193 = vector.broadcast %add3A_192 : i32 to vector<16xi32>
      %add3A_194 = arith.addi %get3A_156, %add3A_193 : vector<16xi32>
      tpu.vector_store_idx %arg13[%select_n3A_191], %add3A_194 : memref<10256xi32, #tpu.memory_space<vmem>>[vector<16xi32>], vector<16xi32>,
      tpu.vector_store_idx %arg14[%select_n3A_191], %get3A_160 : memref<10256xi32, #tpu.memory_space<vmem>>[vector<16xi32>], vector<16xi32>,
      %reduce_sum3A = arith.constant true
      %reduce_sum3A_195 = vector.broadcast %reduce_sum3A : i1 to vector<16xi1>
      %reduce_sum3A_196 = tpu.scan <sum>, %convert_element_type3A masked %reduce_sum3A_195 : vector<16xi32>, vector<16xi1> -> vector<16xi32>
      %reduce_sum3A_197 = vector.extract %reduce_sum3A_196[15] : i32 from vector<16xi32>
      %add3A_198 = arith.addi %scan3A_152, %reduce_sum3A_197 : i32
      %reduce_sum3A_199 = arith.constant true
      %reduce_sum3A_200 = vector.broadcast %reduce_sum3A_199 : i1 to vector<16xi1>
      %reduce_sum3A_201 = tpu.scan <sum>, %convert_element_type3A_170 masked %reduce_sum3A_200 : vector<16xi32>, vector<16xi1> -> vector<16xi32>
      %reduce_sum3A_202 = vector.extract %reduce_sum3A_201[15] : i32 from vector<16xi32>
      %add3A_203 = arith.addi %scan3A_153, %reduce_sum3A_202 : i32
      scf.yield %add3A_198, %add3A_203 : i32, i32
    }
    %scan3A_9 = arith.constant 632 : i32
    %broadcast_in_dim3A = arith.constant 0 : i32
    %broadcast_in_dim3A_10 = vector.broadcast %broadcast_in_dim3A : i32 to vector<16xi32>
    %broadcast_in_dim3A_11 = arith.constant 10000 : i32
    %broadcast_in_dim3A_12 = vector.broadcast %broadcast_in_dim3A_11 : i32 to vector<16xi32>
    %add3A_13 = arith.constant 0 : i32
    %add3A_14 = arith.addi %scan3A_8#0, %add3A_13 : i32
    %swap3A = arith.index_cast %add3A_14 : i32 to index
    %swap3A_15 = tpu.vector_load %arg11[%swap3A] {strides = array<i32>} : memref<10256xi32, #tpu.memory_space<vmem>>, vector<16xi32>,
    tpu.vector_store %arg11[%swap3A], %broadcast_in_dim3A_10 {strides = array<i32>} : memref<10256xi32, #tpu.memory_space<vmem>>, vector<16xi32>,
    %add3A_16 = arith.constant 0 : i32
    %add3A_17 = arith.addi %scan3A_8#0, %add3A_16 : i32
    %swap3A_18 = arith.index_cast %add3A_17 : i32 to index
    %swap3A_19 = tpu.vector_load %arg12[%swap3A_18] {strides = array<i32>} : memref<10256xi32, #tpu.memory_space<vmem>>, vector<16xi32>,
    tpu.vector_store %arg12[%swap3A_18], %broadcast_in_dim3A_12 {strides = array<i32>} : memref<10256xi32, #tpu.memory_space<vmem>>, vector<16xi32>,
    %add3A_20 = arith.constant 0 : i32
    %add3A_21 = arith.addi %scan3A_8#1, %add3A_20 : i32
    %swap3A_22 = arith.index_cast %add3A_21 : i32 to index
    %swap3A_23 = tpu.vector_load %arg13[%swap3A_22] {strides = array<i32>} : memref<10256xi32, #tpu.memory_space<vmem>>, vector<16xi32>,
    tpu.vector_store %arg13[%swap3A_22], %broadcast_in_dim3A_10 {strides = array<i32>} : memref<10256xi32, #tpu.memory_space<vmem>>, vector<16xi32>,
    %add3A_24 = arith.constant 0 : i32
    %add3A_25 = arith.addi %scan3A_8#1, %add3A_24 : i32
    %swap3A_26 = arith.index_cast %add3A_25 : i32 to index
    %swap3A_27 = tpu.vector_load %arg14[%swap3A_26] {strides = array<i32>} : memref<10256xi32, #tpu.memory_space<vmem>>, vector<16xi32>,
    tpu.vector_store %arg14[%swap3A_26], %broadcast_in_dim3A_12 {strides = array<i32>} : memref<10256xi32, #tpu.memory_space<vmem>>, vector<16xi32>,
    %add3A_28 = arith.constant 16 : i32
    %add3A_29 = arith.addi %scan3A_8#0, %add3A_28 : i32
    %swap3A_30 = arith.index_cast %add3A_29 : i32 to index
    %swap3A_31 = tpu.vector_load %arg11[%swap3A_30] {strides = array<i32>} : memref<10256xi32, #tpu.memory_space<vmem>>, vector<16xi32>,
    tpu.vector_store %arg11[%swap3A_30], %broadcast_in_dim3A_10 {strides = array<i32>} : memref<10256xi32, #tpu.memory_space<vmem>>, vector<16xi32>,
    %add3A_32 = arith.constant 16 : i32
    %add3A_33 = arith.addi %scan3A_8#0, %add3A_32 : i32
    %swap3A_34 = arith.index_cast %add3A_33 : i32 to index
    %swap3A_35 = tpu.vector_load %arg12[%swap3A_34] {strides = array<i32>} : memref<10256xi32, #tpu.memory_space<vmem>>, vector<16xi32>,
    tpu.vector_store %arg12[%swap3A_34], %broadcast_in_dim3A_12 {strides = array<i32>} : memref<10256xi32, #tpu.memory_space<vmem>>, vector<16xi32>,
    %add3A_36 = arith.constant 16 : i32
    %add3A_37 = arith.addi %scan3A_8#1, %add3A_36 : i32
    %swap3A_38 = arith.index_cast %add3A_37 : i32 to index
    %swap3A_39 = tpu.vector_load %arg13[%swap3A_38] {strides = array<i32>} : memref<10256xi32, #tpu.memory_space<vmem>>, vector<16xi32>,
    tpu.vector_store %arg13[%swap3A_38], %broadcast_in_dim3A_10 {strides = array<i32>} : memref<10256xi32, #tpu.memory_space<vmem>>, vector<16xi32>,
    %add3A_40 = arith.constant 16 : i32
    %add3A_41 = arith.addi %scan3A_8#1, %add3A_40 : i32
    %swap3A_42 = arith.index_cast %add3A_41 : i32 to index
    %swap3A_43 = tpu.vector_load %arg14[%swap3A_42] {strides = array<i32>} : memref<10256xi32, #tpu.memory_space<vmem>>, vector<16xi32>,
    tpu.vector_store %arg14[%swap3A_42], %broadcast_in_dim3A_12 {strides = array<i32>} : memref<10256xi32, #tpu.memory_space<vmem>>, vector<16xi32>,
    %add3A_44 = arith.constant 32 : i32
    %add3A_45 = arith.addi %scan3A_8#0, %add3A_44 : i32
    %swap3A_46 = arith.index_cast %add3A_45 : i32 to index
    %swap3A_47 = tpu.vector_load %arg11[%swap3A_46] {strides = array<i32>} : memref<10256xi32, #tpu.memory_space<vmem>>, vector<16xi32>,
    tpu.vector_store %arg11[%swap3A_46], %broadcast_in_dim3A_10 {strides = array<i32>} : memref<10256xi32, #tpu.memory_space<vmem>>, vector<16xi32>,
    %add3A_48 = arith.constant 32 : i32
    %add3A_49 = arith.addi %scan3A_8#0, %add3A_48 : i32
    %swap3A_50 = arith.index_cast %add3A_49 : i32 to index
    %swap3A_51 = tpu.vector_load %arg12[%swap3A_50] {strides = array<i32>} : memref<10256xi32, #tpu.memory_space<vmem>>, vector<16xi32>,
    tpu.vector_store %arg12[%swap3A_50], %broadcast_in_dim3A_12 {strides = array<i32>} : memref<10256xi32, #tpu.memory_space<vmem>>, vector<16xi32>,
    %add3A_52 = arith.constant 32 : i32
    %add3A_53 = arith.addi %scan3A_8#1, %add3A_52 : i32
    %swap3A_54 = arith.index_cast %add3A_53 : i32 to index
    %swap3A_55 = tpu.vector_load %arg13[%swap3A_54] {strides = array<i32>} : memref<10256xi32, #tpu.memory_space<vmem>>, vector<16xi32>,
    tpu.vector_store %arg13[%swap3A_54], %broadcast_in_dim3A_10 {strides = array<i32>} : memref<10256xi32, #tpu.memory_space<vmem>>, vector<16xi32>,
    %add3A_56 = arith.constant 32 : i32
    %add3A_57 = arith.addi %scan3A_8#1, %add3A_56 : i32
    %swap3A_58 = arith.index_cast %add3A_57 : i32 to index
    %swap3A_59 = tpu.vector_load %arg14[%swap3A_58] {strides = array<i32>} : memref<10256xi32, #tpu.memory_space<vmem>>, vector<16xi32>,
    tpu.vector_store %arg14[%swap3A_58], %broadcast_in_dim3A_12 {strides = array<i32>} : memref<10256xi32, #tpu.memory_space<vmem>>, vector<16xi32>,
    %add3A_60 = arith.constant 48 : i32
    %add3A_61 = arith.addi %scan3A_8#0, %add3A_60 : i32
    %swap3A_62 = arith.index_cast %add3A_61 : i32 to index
    %swap3A_63 = tpu.vector_load %arg11[%swap3A_62] {strides = array<i32>} : memref<10256xi32, #tpu.memory_space<vmem>>, vector<16xi32>,
    tpu.vector_store %arg11[%swap3A_62], %broadcast_in_dim3A_10 {strides = array<i32>} : memref<10256xi32, #tpu.memory_space<vmem>>, vector<16xi32>,
    %add3A_64 = arith.constant 48 : i32
    %add3A_65 = arith.addi %scan3A_8#0, %add3A_64 : i32
    %swap3A_66 = arith.index_cast %add3A_65 : i32 to index
    %swap3A_67 = tpu.vector_load %arg12[%swap3A_66] {strides = array<i32>} : memref<10256xi32, #tpu.memory_space<vmem>>, vector<16xi32>,
    tpu.vector_store %arg12[%swap3A_66], %broadcast_in_dim3A_12 {strides = array<i32>} : memref<10256xi32, #tpu.memory_space<vmem>>, vector<16xi32>,
    %add3A_68 = arith.constant 48 : i32
    %add3A_69 = arith.addi %scan3A_8#1, %add3A_68 : i32
    %swap3A_70 = arith.index_cast %add3A_69 : i32 to index
    %swap3A_71 = tpu.vector_load %arg13[%swap3A_70] {strides = array<i32>} : memref<10256xi32, #tpu.memory_space<vmem>>, vector<16xi32>,
    tpu.vector_store %arg13[%swap3A_70], %broadcast_in_dim3A_10 {strides = array<i32>} : memref<10256xi32, #tpu.memory_space<vmem>>, vector<16xi32>,
    %add3A_72 = arith.constant 48 : i32
    %add3A_73 = arith.addi %scan3A_8#1, %add3A_72 : i32
    %swap3A_74 = arith.index_cast %add3A_73 : i32 to index
    %swap3A_75 = tpu.vector_load %arg14[%swap3A_74] {strides = array<i32>} : memref<10256xi32, #tpu.memory_space<vmem>>, vector<16xi32>,
    tpu.vector_store %arg14[%swap3A_74], %broadcast_in_dim3A_12 {strides = array<i32>} : memref<10256xi32, #tpu.memory_space<vmem>>, vector<16xi32>,
    %add3A_76 = arith.constant 64 : i32
    %add3A_77 = arith.addi %scan3A_8#0, %add3A_76 : i32
    %swap3A_78 = arith.index_cast %add3A_77 : i32 to index
    %swap3A_79 = tpu.vector_load %arg11[%swap3A_78] {strides = array<i32>} : memref<10256xi32, #tpu.memory_space<vmem>>, vector<16xi32>,
    tpu.vector_store %arg11[%swap3A_78], %broadcast_in_dim3A_10 {strides = array<i32>} : memref<10256xi32, #tpu.memory_space<vmem>>, vector<16xi32>,
    %add3A_80 = arith.constant 64 : i32
    %add3A_81 = arith.addi %scan3A_8#0, %add3A_80 : i32
    %swap3A_82 = arith.index_cast %add3A_81 : i32 to index
    %swap3A_83 = tpu.vector_load %arg12[%swap3A_82] {strides = array<i32>} : memref<10256xi32, #tpu.memory_space<vmem>>, vector<16xi32>,
    tpu.vector_store %arg12[%swap3A_82], %broadcast_in_dim3A_12 {strides = array<i32>} : memref<10256xi32, #tpu.memory_space<vmem>>, vector<16xi32>,
    %add3A_84 = arith.constant 64 : i32
    %add3A_85 = arith.addi %scan3A_8#1, %add3A_84 : i32
    %swap3A_86 = arith.index_cast %add3A_85 : i32 to index
    %swap3A_87 = tpu.vector_load %arg13[%swap3A_86] {strides = array<i32>} : memref<10256xi32, #tpu.memory_space<vmem>>, vector<16xi32>,
    tpu.vector_store %arg13[%swap3A_86], %broadcast_in_dim3A_10 {strides = array<i32>} : memref<10256xi32, #tpu.memory_space<vmem>>, vector<16xi32>,
    %add3A_88 = arith.constant 64 : i32
    %add3A_89 = arith.addi %scan3A_8#1, %add3A_88 : i32
    %swap3A_90 = arith.index_cast %add3A_89 : i32 to index
    %swap3A_91 = tpu.vector_load %arg14[%swap3A_90] {strides = array<i32>} : memref<10256xi32, #tpu.memory_space<vmem>>, vector<16xi32>,
    tpu.vector_store %arg14[%swap3A_90], %broadcast_in_dim3A_12 {strides = array<i32>} : memref<10256xi32, #tpu.memory_space<vmem>>, vector<16xi32>,
    %add3A_92 = arith.constant 80 : i32
    %add3A_93 = arith.addi %scan3A_8#0, %add3A_92 : i32
    %swap3A_94 = arith.index_cast %add3A_93 : i32 to index
    %swap3A_95 = tpu.vector_load %arg11[%swap3A_94] {strides = array<i32>} : memref<10256xi32, #tpu.memory_space<vmem>>, vector<16xi32>,
    tpu.vector_store %arg11[%swap3A_94], %broadcast_in_dim3A_10 {strides = array<i32>} : memref<10256xi32, #tpu.memory_space<vmem>>, vector<16xi32>,
    %add3A_96 = arith.constant 80 : i32
    %add3A_97 = arith.addi %scan3A_8#0, %add3A_96 : i32
    %swap3A_98 = arith.index_cast %add3A_97 : i32 to index
    %swap3A_99 = tpu.vector_load %arg12[%swap3A_98] {strides = array<i32>} : memref<10256xi32, #tpu.memory_space<vmem>>, vector<16xi32>,
    tpu.vector_store %arg12[%swap3A_98], %broadcast_in_dim3A_12 {strides = array<i32>} : memref<10256xi32, #tpu.memory_space<vmem>>, vector<16xi32>,
    %add3A_100 = arith.constant 80 : i32
    %add3A_101 = arith.addi %scan3A_8#1, %add3A_100 : i32
    %swap3A_102 = arith.index_cast %add3A_101 : i32 to index
    %swap3A_103 = tpu.vector_load %arg13[%swap3A_102] {strides = array<i32>} : memref<10256xi32, #tpu.memory_space<vmem>>, vector<16xi32>,
    tpu.vector_store %arg13[%swap3A_102], %broadcast_in_dim3A_10 {strides = array<i32>} : memref<10256xi32, #tpu.memory_space<vmem>>, vector<16xi32>,
    %add3A_104 = arith.constant 80 : i32
    %add3A_105 = arith.addi %scan3A_8#1, %add3A_104 : i32
    %swap3A_106 = arith.index_cast %add3A_105 : i32 to index
    %swap3A_107 = tpu.vector_load %arg14[%swap3A_106] {strides = array<i32>} : memref<10256xi32, #tpu.memory_space<vmem>>, vector<16xi32>,
    tpu.vector_store %arg14[%swap3A_106], %broadcast_in_dim3A_12 {strides = array<i32>} : memref<10256xi32, #tpu.memory_space<vmem>>, vector<16xi32>,
    %add3A_108 = arith.constant 96 : i32
    %add3A_109 = arith.addi %scan3A_8#0, %add3A_108 : i32
    %swap3A_110 = arith.index_cast %add3A_109 : i32 to index
    %swap3A_111 = tpu.vector_load %arg11[%swap3A_110] {strides = array<i32>} : memref<10256xi32, #tpu.memory_space<vmem>>, vector<16xi32>,
    tpu.vector_store %arg11[%swap3A_110], %broadcast_in_dim3A_10 {strides = array<i32>} : memref<10256xi32, #tpu.memory_space<vmem>>, vector<16xi32>,
    %add3A_112 = arith.constant 96 : i32
    %add3A_113 = arith.addi %scan3A_8#0, %add3A_112 : i32
    %swap3A_114 = arith.index_cast %add3A_113 : i32 to index
    %swap3A_115 = tpu.vector_load %arg12[%swap3A_114] {strides = array<i32>} : memref<10256xi32, #tpu.memory_space<vmem>>, vector<16xi32>,
    tpu.vector_store %arg12[%swap3A_114], %broadcast_in_dim3A_12 {strides = array<i32>} : memref<10256xi32, #tpu.memory_space<vmem>>, vector<16xi32>,
    %add3A_116 = arith.constant 96 : i32
    %add3A_117 = arith.addi %scan3A_8#1, %add3A_116 : i32
    %swap3A_118 = arith.index_cast %add3A_117 : i32 to index
    %swap3A_119 = tpu.vector_load %arg13[%swap3A_118] {strides = array<i32>} : memref<10256xi32, #tpu.memory_space<vmem>>, vector<16xi32>,
    tpu.vector_store %arg13[%swap3A_118], %broadcast_in_dim3A_10 {strides = array<i32>} : memref<10256xi32, #tpu.memory_space<vmem>>, vector<16xi32>,
    %add3A_120 = arith.constant 96 : i32
    %add3A_121 = arith.addi %scan3A_8#1, %add3A_120 : i32
    %swap3A_122 = arith.index_cast %add3A_121 : i32 to index
    %swap3A_123 = tpu.vector_load %arg14[%swap3A_122] {strides = array<i32>} : memref<10256xi32, #tpu.memory_space<vmem>>, vector<16xi32>,
    tpu.vector_store %arg14[%swap3A_122], %broadcast_in_dim3A_12 {strides = array<i32>} : memref<10256xi32, #tpu.memory_space<vmem>>, vector<16xi32>,
    %add3A_124 = arith.constant 112 : i32
    %add3A_125 = arith.addi %scan3A_8#0, %add3A_124 : i32
    %swap3A_126 = arith.index_cast %add3A_125 : i32 to index
    %swap3A_127 = tpu.vector_load %arg11[%swap3A_126] {strides = array<i32>} : memref<10256xi32, #tpu.memory_space<vmem>>, vector<16xi32>,
    tpu.vector_store %arg11[%swap3A_126], %broadcast_in_dim3A_10 {strides = array<i32>} : memref<10256xi32, #tpu.memory_space<vmem>>, vector<16xi32>,
    %add3A_128 = arith.constant 112 : i32
    %add3A_129 = arith.addi %scan3A_8#0, %add3A_128 : i32
    %swap3A_130 = arith.index_cast %add3A_129 : i32 to index
    %swap3A_131 = tpu.vector_load %arg12[%swap3A_130] {strides = array<i32>} : memref<10256xi32, #tpu.memory_space<vmem>>, vector<16xi32>,
    tpu.vector_store %arg12[%swap3A_130], %broadcast_in_dim3A_12 {strides = array<i32>} : memref<10256xi32, #tpu.memory_space<vmem>>, vector<16xi32>,
    %add3A_132 = arith.constant 112 : i32
    %add3A_133 = arith.addi %scan3A_8#1, %add3A_132 : i32
    %swap3A_134 = arith.index_cast %add3A_133 : i32 to index
    %swap3A_135 = tpu.vector_load %arg13[%swap3A_134] {strides = array<i32>} : memref<10256xi32, #tpu.memory_space<vmem>>, vector<16xi32>,
    tpu.vector_store %arg13[%swap3A_134], %broadcast_in_dim3A_10 {strides = array<i32>} : memref<10256xi32, #tpu.memory_space<vmem>>, vector<16xi32>,
    %add3A_136 = arith.constant 112 : i32
    %add3A_137 = arith.addi %scan3A_8#1, %add3A_136 : i32
    %swap3A_138 = arith.index_cast %add3A_137 : i32 to index
    %swap3A_139 = tpu.vector_load %arg14[%swap3A_138] {strides = array<i32>} : memref<10256xi32, #tpu.memory_space<vmem>>, vector<16xi32>,
    tpu.vector_store %arg14[%swap3A_138], %broadcast_in_dim3A_12 {strides = array<i32>} : memref<10256xi32, #tpu.memory_space<vmem>>, vector<16xi32>,
    %run_scoped3A = arith.constant 0 : i32
    "tpu.region"() ({
      %run_scoped3A_151 = tpu.sem_alloc : memref<!tpu.dma_semaphore, #tpu.memory_space<semaphore_mem>>
      %dma_start3A = arith.constant 0 : i32
      %dma_start3A_152 = tpu.memref_slice %arg11[%dma_start3A] : memref<10256xi32, #tpu.memory_space<vmem>> -> memref<10240xi32, #tpu.memory_space<vmem>>
      %dma_start3A_153 = arith.constant 0 : i32
      %dma_start3A_154 = tpu.memref_slice %arg5[%run_scoped3A, %add3A, %dma_start3A_153] : memref<2x32x10240xi32, #tpu.memory_space<hbm>> -> memref<1x1x10240xi32, #tpu.memory_space<hbm>>
      %dma_start3A_155 = tpu.memref_squeeze %dma_start3A_154 : memref<1x1x10240xi32, #tpu.memory_space<hbm>> -> memref<10240xi32, #tpu.memory_space<hbm>>
      %dma_start3A_156 = arith.constant 0 : i32
      %dma_start3A_157 = tpu.memref_slice %arg5[%run_scoped3A, %add3A, %dma_start3A_156] : memref<2x32x10240xi32, #tpu.memory_space<hbm>> -> memref<1x1x10240xi32, #tpu.memory_space<hbm>>
      %dma_start3A_158 = tpu.memref_squeeze %dma_start3A_157 : memref<1x1x10240xi32, #tpu.memory_space<hbm>> -> memref<10240xi32, #tpu.memory_space<hbm>>
      %dma_start3A_159 = arith.constant 0 : i32
      %dma_start3A_160 = tpu.memref_slice %arg11[%dma_start3A_159] : memref<10256xi32, #tpu.memory_space<vmem>> -> memref<10240xi32, #tpu.memory_space<vmem>>
      tpu.enqueue_dma source(%dma_start3A_160 : memref<10240xi32, #tpu.memory_space<vmem>>) target(%dma_start3A_158 : memref<10240xi32, #tpu.memory_space<hbm>>) target_semaphore(%run_scoped3A_151 : memref<!tpu.dma_semaphore, #tpu.memory_space<semaphore_mem>>)
      %dma_wait3A = arith.constant 0 : i32
      %dma_wait3A_161 = tpu.memref_slice %arg11[%dma_wait3A] : memref<10256xi32, #tpu.memory_space<vmem>> -> memref<10240xi32, #tpu.memory_space<vmem>>
      %dma_wait3A_162 = arith.constant 0 : i32
      %dma_wait3A_163 = tpu.memref_slice %arg5[%run_scoped3A, %add3A, %dma_wait3A_162] : memref<2x32x10240xi32, #tpu.memory_space<hbm>> -> memref<1x1x10240xi32, #tpu.memory_space<hbm>>
      %dma_wait3A_164 = tpu.memref_squeeze %dma_wait3A_163 : memref<1x1x10240xi32, #tpu.memory_space<hbm>> -> memref<10240xi32, #tpu.memory_space<hbm>>
      %dma_wait3A_165 = arith.constant 0 : i32
      %dma_wait3A_166 = tpu.memref_slice %arg5[%run_scoped3A, %add3A, %dma_wait3A_165] : memref<2x32x10240xi32, #tpu.memory_space<hbm>> -> memref<1x1x10240xi32, #tpu.memory_space<hbm>>
      %dma_wait3A_167 = tpu.memref_squeeze %dma_wait3A_166 : memref<1x1x10240xi32, #tpu.memory_space<hbm>> -> memref<10240xi32, #tpu.memory_space<hbm>>
      %dma_wait3A_168 = arith.constant 0 : i32
      %dma_wait3A_169 = tpu.memref_slice %arg11[%dma_wait3A_168] : memref<10256xi32, #tpu.memory_space<vmem>> -> memref<10240xi32, #tpu.memory_space<vmem>>
      tpu.wait_dma2 semaphore(%run_scoped3A_151 : memref<!tpu.dma_semaphore, #tpu.memory_space<semaphore_mem>>) src(%dma_wait3A_169 : memref<10240xi32, #tpu.memory_space<vmem>>) dst(%dma_wait3A_167 : memref<10240xi32, #tpu.memory_space<hbm>>)
      tpu.yield
    }) : () -> ()
    %run_scoped3A_140 = arith.constant 0 : i32
    "tpu.region"() ({
      %run_scoped3A_151 = tpu.sem_alloc : memref<!tpu.dma_semaphore, #tpu.memory_space<semaphore_mem>>
      %dma_start3A = arith.constant 0 : i32
      %dma_start3A_152 = tpu.memref_slice %arg12[%dma_start3A] : memref<10256xi32, #tpu.memory_space<vmem>> -> memref<10240xi32, #tpu.memory_space<vmem>>
      %dma_start3A_153 = arith.constant 0 : i32
      %dma_start3A_154 = tpu.memref_slice %arg6[%run_scoped3A_140, %add3A, %dma_start3A_153] : memref<2x32x10240xi32, #tpu.memory_space<hbm>> -> memref<1x1x10240xi32, #tpu.memory_space<hbm>>
      %dma_start3A_155 = tpu.memref_squeeze %dma_start3A_154 : memref<1x1x10240xi32, #tpu.memory_space<hbm>> -> memref<10240xi32, #tpu.memory_space<hbm>>
      %dma_start3A_156 = arith.constant 0 : i32
      %dma_start3A_157 = tpu.memref_slice %arg6[%run_scoped3A_140, %add3A, %dma_start3A_156] : memref<2x32x10240xi32, #tpu.memory_space<hbm>> -> memref<1x1x10240xi32, #tpu.memory_space<hbm>>
      %dma_start3A_158 = tpu.memref_squeeze %dma_start3A_157 : memref<1x1x10240xi32, #tpu.memory_space<hbm>> -> memref<10240xi32, #tpu.memory_space<hbm>>
      %dma_start3A_159 = arith.constant 0 : i32
      %dma_start3A_160 = tpu.memref_slice %arg12[%dma_start3A_159] : memref<10256xi32, #tpu.memory_space<vmem>> -> memref<10240xi32, #tpu.memory_space<vmem>>
      tpu.enqueue_dma source(%dma_start3A_160 : memref<10240xi32, #tpu.memory_space<vmem>>) target(%dma_start3A_158 : memref<10240xi32, #tpu.memory_space<hbm>>) target_semaphore(%run_scoped3A_151 : memref<!tpu.dma_semaphore, #tpu.memory_space<semaphore_mem>>)
      %dma_wait3A = arith.constant 0 : i32
      %dma_wait3A_161 = tpu.memref_slice %arg12[%dma_wait3A] : memref<10256xi32, #tpu.memory_space<vmem>> -> memref<10240xi32, #tpu.memory_space<vmem>>
      %dma_wait3A_162 = arith.constant 0 : i32
      %dma_wait3A_163 = tpu.memref_slice %arg6[%run_scoped3A_140, %add3A, %dma_wait3A_162] : memref<2x32x10240xi32, #tpu.memory_space<hbm>> -> memref<1x1x10240xi32, #tpu.memory_space<hbm>>
      %dma_wait3A_164 = tpu.memref_squeeze %dma_wait3A_163 : memref<1x1x10240xi32, #tpu.memory_space<hbm>> -> memref<10240xi32, #tpu.memory_space<hbm>>
      %dma_wait3A_165 = arith.constant 0 : i32
      %dma_wait3A_166 = tpu.memref_slice %arg6[%run_scoped3A_140, %add3A, %dma_wait3A_165] : memref<2x32x10240xi32, #tpu.memory_space<hbm>> -> memref<1x1x10240xi32, #tpu.memory_space<hbm>>
      %dma_wait3A_167 = tpu.memref_squeeze %dma_wait3A_166 : memref<1x1x10240xi32, #tpu.memory_space<hbm>> -> memref<10240xi32, #tpu.memory_space<hbm>>
      %dma_wait3A_168 = arith.constant 0 : i32
      %dma_wait3A_169 = tpu.memref_slice %arg12[%dma_wait3A_168] : memref<10256xi32, #tpu.memory_space<vmem>> -> memref<10240xi32, #tpu.memory_space<vmem>>
      tpu.wait_dma2 semaphore(%run_scoped3A_151 : memref<!tpu.dma_semaphore, #tpu.memory_space<semaphore_mem>>) src(%dma_wait3A_169 : memref<10240xi32, #tpu.memory_space<vmem>>) dst(%dma_wait3A_167 : memref<10240xi32, #tpu.memory_space<hbm>>)
      tpu.yield
    }) : () -> ()
    %run_scoped3A_141 = arith.constant 1 : i32
    "tpu.region"() ({
      %run_scoped3A_151 = tpu.sem_alloc : memref<!tpu.dma_semaphore, #tpu.memory_space<semaphore_mem>>
      %dma_start3A = arith.constant 0 : i32
      %dma_start3A_152 = tpu.memref_slice %arg13[%dma_start3A] : memref<10256xi32, #tpu.memory_space<vmem>> -> memref<10240xi32, #tpu.memory_space<vmem>>
      %dma_start3A_153 = arith.constant 0 : i32
      %dma_start3A_154 = tpu.memref_slice %arg5[%run_scoped3A_141, %add3A, %dma_start3A_153] : memref<2x32x10240xi32, #tpu.memory_space<hbm>> -> memref<1x1x10240xi32, #tpu.memory_space<hbm>>
      %dma_start3A_155 = tpu.memref_squeeze %dma_start3A_154 : memref<1x1x10240xi32, #tpu.memory_space<hbm>> -> memref<10240xi32, #tpu.memory_space<hbm>>
      %dma_start3A_156 = arith.constant 0 : i32
      %dma_start3A_157 = tpu.memref_slice %arg5[%run_scoped3A_141, %add3A, %dma_start3A_156] : memref<2x32x10240xi32, #tpu.memory_space<hbm>> -> memref<1x1x10240xi32, #tpu.memory_space<hbm>>
      %dma_start3A_158 = tpu.memref_squeeze %dma_start3A_157 : memref<1x1x10240xi32, #tpu.memory_space<hbm>> -> memref<10240xi32, #tpu.memory_space<hbm>>
      %dma_start3A_159 = arith.constant 0 : i32
      %dma_start3A_160 = tpu.memref_slice %arg13[%dma_start3A_159] : memref<10256xi32, #tpu.memory_space<vmem>> -> memref<10240xi32, #tpu.memory_space<vmem>>
      tpu.enqueue_dma source(%dma_start3A_160 : memref<10240xi32, #tpu.memory_space<vmem>>) target(%dma_start3A_158 : memref<10240xi32, #tpu.memory_space<hbm>>) target_semaphore(%run_scoped3A_151 : memref<!tpu.dma_semaphore, #tpu.memory_space<semaphore_mem>>)
      %dma_wait3A = arith.constant 0 : i32
      %dma_wait3A_161 = tpu.memref_slice %arg13[%dma_wait3A] : memref<10256xi32, #tpu.memory_space<vmem>> -> memref<10240xi32, #tpu.memory_space<vmem>>
      %dma_wait3A_162 = arith.constant 0 : i32
      %dma_wait3A_163 = tpu.memref_slice %arg5[%run_scoped3A_141, %add3A, %dma_wait3A_162] : memref<2x32x10240xi32, #tpu.memory_space<hbm>> -> memref<1x1x10240xi32, #tpu.memory_space<hbm>>
      %dma_wait3A_164 = tpu.memref_squeeze %dma_wait3A_163 : memref<1x1x10240xi32, #tpu.memory_space<hbm>> -> memref<10240xi32, #tpu.memory_space<hbm>>
      %dma_wait3A_165 = arith.constant 0 : i32
      %dma_wait3A_166 = tpu.memref_slice %arg5[%run_scoped3A_141, %add3A, %dma_wait3A_165] : memref<2x32x10240xi32, #tpu.memory_space<hbm>> -> memref<1x1x10240xi32, #tpu.memory_space<hbm>>
      %dma_wait3A_167 = tpu.memref_squeeze %dma_wait3A_166 : memref<1x1x10240xi32, #tpu.memory_space<hbm>> -> memref<10240xi32, #tpu.memory_space<hbm>>
      %dma_wait3A_168 = arith.constant 0 : i32
      %dma_wait3A_169 = tpu.memref_slice %arg13[%dma_wait3A_168] : memref<10256xi32, #tpu.memory_space<vmem>> -> memref<10240xi32, #tpu.memory_space<vmem>>
      tpu.wait_dma2 semaphore(%run_scoped3A_151 : memref<!tpu.dma_semaphore, #tpu.memory_space<semaphore_mem>>) src(%dma_wait3A_169 : memref<10240xi32, #tpu.memory_space<vmem>>) dst(%dma_wait3A_167 : memref<10240xi32, #tpu.memory_space<hbm>>)
      tpu.yield
    }) : () -> ()
    %run_scoped3A_142 = arith.constant 1 : i32
    "tpu.region"() ({
      %run_scoped3A_151 = tpu.sem_alloc : memref<!tpu.dma_semaphore, #tpu.memory_space<semaphore_mem>>
      %dma_start3A = arith.constant 0 : i32
      %dma_start3A_152 = tpu.memref_slice %arg14[%dma_start3A] : memref<10256xi32, #tpu.memory_space<vmem>> -> memref<10240xi32, #tpu.memory_space<vmem>>
      %dma_start3A_153 = arith.constant 0 : i32
      %dma_start3A_154 = tpu.memref_slice %arg6[%run_scoped3A_142, %add3A, %dma_start3A_153] : memref<2x32x10240xi32, #tpu.memory_space<hbm>> -> memref<1x1x10240xi32, #tpu.memory_space<hbm>>
      %dma_start3A_155 = tpu.memref_squeeze %dma_start3A_154 : memref<1x1x10240xi32, #tpu.memory_space<hbm>> -> memref<10240xi32, #tpu.memory_space<hbm>>
      %dma_start3A_156 = arith.constant 0 : i32
      %dma_start3A_157 = tpu.memref_slice %arg6[%run_scoped3A_142, %add3A, %dma_start3A_156] : memref<2x32x10240xi32, #tpu.memory_space<hbm>> -> memref<1x1x10240xi32, #tpu.memory_space<hbm>>
      %dma_start3A_158 = tpu.memref_squeeze %dma_start3A_157 : memref<1x1x10240xi32, #tpu.memory_space<hbm>> -> memref<10240xi32, #tpu.memory_space<hbm>>
      %dma_start3A_159 = arith.constant 0 : i32
      %dma_start3A_160 = tpu.memref_slice %arg14[%dma_start3A_159] : memref<10256xi32, #tpu.memory_space<vmem>> -> memref<10240xi32, #tpu.memory_space<vmem>>
      tpu.enqueue_dma source(%dma_start3A_160 : memref<10240xi32, #tpu.memory_space<vmem>>) target(%dma_start3A_158 : memref<10240xi32, #tpu.memory_space<hbm>>) target_semaphore(%run_scoped3A_151 : memref<!tpu.dma_semaphore, #tpu.memory_space<semaphore_mem>>)
      %dma_wait3A = arith.constant 0 : i32
      %dma_wait3A_161 = tpu.memref_slice %arg14[%dma_wait3A] : memref<10256xi32, #tpu.memory_space<vmem>> -> memref<10240xi32, #tpu.memory_space<vmem>>
      %dma_wait3A_162 = arith.constant 0 : i32
      %dma_wait3A_163 = tpu.memref_slice %arg6[%run_scoped3A_142, %add3A, %dma_wait3A_162] : memref<2x32x10240xi32, #tpu.memory_space<hbm>> -> memref<1x1x10240xi32, #tpu.memory_space<hbm>>
      %dma_wait3A_164 = tpu.memref_squeeze %dma_wait3A_163 : memref<1x1x10240xi32, #tpu.memory_space<hbm>> -> memref<10240xi32, #tpu.memory_space<hbm>>
      %dma_wait3A_165 = arith.constant 0 : i32
      %dma_wait3A_166 = tpu.memref_slice %arg6[%run_scoped3A_142, %add3A, %dma_wait3A_165] : memref<2x32x10240xi32, #tpu.memory_space<hbm>> -> memref<1x1x10240xi32, #tpu.memory_space<hbm>>
      %dma_wait3A_167 = tpu.memref_squeeze %dma_wait3A_166 : memref<1x1x10240xi32, #tpu.memory_space<hbm>> -> memref<10240xi32, #tpu.memory_space<hbm>>
      %dma_wait3A_168 = arith.constant 0 : i32
      %dma_wait3A_169 = tpu.memref_slice %arg14[%dma_wait3A_168] : memref<10256xi32, #tpu.memory_space<vmem>> -> memref<10240xi32, #tpu.memory_space<vmem>>
      tpu.wait_dma2 semaphore(%run_scoped3A_151 : memref<!tpu.dma_semaphore, #tpu.memory_space<semaphore_mem>>) src(%dma_wait3A_169 : memref<10240xi32, #tpu.memory_space<vmem>>) dst(%dma_wait3A_167 : memref<10240xi32, #tpu.memory_space<hbm>>)
      tpu.yield
    }) : () -> ()
    %broadcast_in_dim3A_143 = vector.broadcast %scan3A_8#0 : i32 to vector<16xi32>
    %swap3A_144 = arith.constant 0 : index
    %swap3A_145 = tpu.vector_load %arg15[%swap3A_144] {strides = array<i32>} : memref<16xi32, #tpu.memory_space<vmem>>, vector<16xi32>,
    tpu.vector_store %arg15[%swap3A_144], %broadcast_in_dim3A_143 {strides = array<i32>} : memref<16xi32, #tpu.memory_space<vmem>>, vector<16xi32>,
    %run_scoped3A_146 = arith.constant 0 : i32
    "tpu.region"() ({
      %run_scoped3A_151 = tpu.sem_alloc : memref<!tpu.dma_semaphore, #tpu.memory_space<semaphore_mem>>
      %dma_start3A = arith.constant 0 : i32
      %dma_start3A_152 = tpu.memref_slice %arg7[%run_scoped3A_146, %add3A, %dma_start3A] : memref<2x32x16xi32, #tpu.memory_space<hbm>> -> memref<1x1x16xi32, #tpu.memory_space<hbm>>
      %dma_start3A_153 = tpu.memref_squeeze %dma_start3A_152 : memref<1x1x16xi32, #tpu.memory_space<hbm>> -> memref<16xi32, #tpu.memory_space<hbm>>
      %dma_start3A_154 = arith.constant 0 : i32
      %dma_start3A_155 = tpu.memref_slice %arg7[%run_scoped3A_146, %add3A, %dma_start3A_154] : memref<2x32x16xi32, #tpu.memory_space<hbm>> -> memref<1x1x16xi32, #tpu.memory_space<hbm>>
      %dma_start3A_156 = tpu.memref_squeeze %dma_start3A_155 : memref<1x1x16xi32, #tpu.memory_space<hbm>> -> memref<16xi32, #tpu.memory_space<hbm>>
      tpu.enqueue_dma source(%arg15 : memref<16xi32, #tpu.memory_space<vmem>>) target(%dma_start3A_156 : memref<16xi32, #tpu.memory_space<hbm>>) target_semaphore(%run_scoped3A_151 : memref<!tpu.dma_semaphore, #tpu.memory_space<semaphore_mem>>)
      %dma_wait3A = arith.constant 0 : i32
      %dma_wait3A_157 = tpu.memref_slice %arg7[%run_scoped3A_146, %add3A, %dma_wait3A] : memref<2x32x16xi32, #tpu.memory_space<hbm>> -> memref<1x1x16xi32, #tpu.memory_space<hbm>>
      %dma_wait3A_158 = tpu.memref_squeeze %dma_wait3A_157 : memref<1x1x16xi32, #tpu.memory_space<hbm>> -> memref<16xi32, #tpu.memory_space<hbm>>
      %dma_wait3A_159 = arith.constant 0 : i32
      %dma_wait3A_160 = tpu.memref_slice %arg7[%run_scoped3A_146, %add3A, %dma_wait3A_159] : memref<2x32x16xi32, #tpu.memory_space<hbm>> -> memref<1x1x16xi32, #tpu.memory_space<hbm>>
      %dma_wait3A_161 = tpu.memref_squeeze %dma_wait3A_160 : memref<1x1x16xi32, #tpu.memory_space<hbm>> -> memref<16xi32, #tpu.memory_space<hbm>>
      tpu.wait_dma2 semaphore(%run_scoped3A_151 : memref<!tpu.dma_semaphore, #tpu.memory_space<semaphore_mem>>) src(%arg15 : memref<16xi32, #tpu.memory_space<vmem>>) dst(%dma_wait3A_161 : memref<16xi32, #tpu.memory_space<hbm>>)
      tpu.yield
    }) : () -> ()
    %broadcast_in_dim3A_147 = vector.broadcast %scan3A_8#1 : i32 to vector<16xi32>
    %swap3A_148 = arith.constant 0 : index
    %swap3A_149 = tpu.vector_load %arg15[%swap3A_148] {strides = array<i32>} : memref<16xi32, #tpu.memory_space<vmem>>, vector<16xi32>,
    tpu.vector_store %arg15[%swap3A_148], %broadcast_in_dim3A_147 {strides = array<i32>} : memref<16xi32, #tpu.memory_space<vmem>>, vector<16xi32>,
    %run_scoped3A_150 = arith.constant 1 : i32
    "tpu.region"() ({
      %run_scoped3A_151 = tpu.sem_alloc : memref<!tpu.dma_semaphore, #tpu.memory_space<semaphore_mem>>
      %dma_start3A = arith.constant 0 : i32
      %dma_start3A_152 = tpu.memref_slice %arg7[%run_scoped3A_150, %add3A, %dma_start3A] : memref<2x32x16xi32, #tpu.memory_space<hbm>> -> memref<1x1x16xi32, #tpu.memory_space<hbm>>
      %dma_start3A_153 = tpu.memref_squeeze %dma_start3A_152 : memref<1x1x16xi32, #tpu.memory_space<hbm>> -> memref<16xi32, #tpu.memory_space<hbm>>
      %dma_start3A_154 = arith.constant 0 : i32
      %dma_start3A_155 = tpu.memref_slice %arg7[%run_scoped3A_150, %add3A, %dma_start3A_154] : memref<2x32x16xi32, #tpu.memory_space<hbm>> -> memref<1x1x16xi32, #tpu.memory_space<hbm>>
      %dma_start3A_156 = tpu.memref_squeeze %dma_start3A_155 : memref<1x1x16xi32, #tpu.memory_space<hbm>> -> memref<16xi32, #tpu.memory_space<hbm>>
      tpu.enqueue_dma source(%arg15 : memref<16xi32, #tpu.memory_space<vmem>>) target(%dma_start3A_156 : memref<16xi32, #tpu.memory_space<hbm>>) target_semaphore(%run_scoped3A_151 : memref<!tpu.dma_semaphore, #tpu.memory_space<semaphore_mem>>)
      %dma_wait3A = arith.constant 0 : i32
      %dma_wait3A_157 = tpu.memref_slice %arg7[%run_scoped3A_150, %add3A, %dma_wait3A] : memref<2x32x16xi32, #tpu.memory_space<hbm>> -> memref<1x1x16xi32, #tpu.memory_space<hbm>>
      %dma_wait3A_158 = tpu.memref_squeeze %dma_wait3A_157 : memref<1x1x16xi32, #tpu.memory_space<hbm>> -> memref<16xi32, #tpu.memory_space<hbm>>
      %dma_wait3A_159 = arith.constant 0 : i32
      %dma_wait3A_160 = tpu.memref_slice %arg7[%run_scoped3A_150, %add3A, %dma_wait3A_159] : memref<2x32x16xi32, #tpu.memory_space<hbm>> -> memref<1x1x16xi32, #tpu.memory_space<hbm>>
      %dma_wait3A_161 = tpu.memref_squeeze %dma_wait3A_160 : memref<1x1x16xi32, #tpu.memory_space<hbm>> -> memref<16xi32, #tpu.memory_space<hbm>>
      tpu.wait_dma2 semaphore(%run_scoped3A_151 : memref<!tpu.dma_semaphore, #tpu.memory_space<semaphore_mem>>) src(%arg15 : memref<16xi32, #tpu.memory_space<vmem>>) dst(%dma_wait3A_161 : memref<16xi32, #tpu.memory_space<hbm>>)
      tpu.yield
    }) : () -> ()
    return
  }
}

#map = affine_map<(d0, d1) -> (0, 0, 0, 0)>
#map1 = affine_map<(d0, d1) -> (0, 0, 0)>
#map2 = affine_map<(d0, d1) -> (0, 0)>
module attributes {stable_mosaic.version = 14 : i64} {
  func.func @sc_pass(%arg0: i32, %arg1: i32, %arg2: memref<2x32x80x128xi32, #tpu.memory_space<hbm>>, %arg3: memref<2x32x80x128xi32, #tpu.memory_space<hbm>>, %arg4: memref<2x32x16xi32, #tpu.memory_space<hbm>>, %arg5: memref<10240x128xf32, #tpu.memory_space<hbm>>, %arg6: memref<640x128xf32, #tpu.memory_space<hbm>>, %arg7: memref<2x10240x128xf32, #tpu.memory_space<hbm>>, %arg8: memref<80x128xi32, #tpu.memory_space<vmem>>, %arg9: memref<80x128xi32, #tpu.memory_space<vmem>>, %arg10: memref<16xi32, #tpu.memory_space<vmem>>, %arg11: memref<128x128xf32, #tpu.memory_space<vmem>>, %arg12: memref<10240x128xf32, #tpu.memory_space<vmem_shared>>, %arg13: memref<!tpu.dma_semaphore, #tpu.memory_space<semaphore_mem>>, %arg14: memref<!tpu.dma_semaphore, #tpu.memory_space<semaphore_mem>>) attributes {dimension_semantics = [#tpu.dimension_semantics<core_parallel>, #tpu.dimension_semantics<subcore_parallel>], iteration_bounds = array<i64: 2, 16>, scalar_prefetch = 0 : i64, scratch_operands = 7 : i64, tpu.core_type = #tpu.core_type<sc_vector_subcore>, window_params = [{transform_indices = #map}, {transform_indices = #map}, {transform_indices = #map1}, {transform_indices = #map2}, {transform_indices = #map2}, {transform_indices = #map1}]} {
    %mul3A = arith.constant 16 : i32
    %mul3A_0 = arith.muli %arg0, %mul3A : i32
    %add3A = arith.addi %mul3A_0, %arg1 : i32
    %mul3A_1 = arith.constant 640 : i32
    %mul3A_2 = arith.muli %arg1, %mul3A_1 : i32
    %dma_start3A = arith.constant 0 : i32
    %dma_start3A_3 = tpu.memref_slice %arg12[%mul3A_2, %dma_start3A] : memref<10240x128xf32, #tpu.memory_space<vmem_shared>> -> memref<640x128xf32, #tpu.memory_space<vmem_shared>>
    tpu.enqueue_dma source(%arg6 : memref<640x128xf32, #tpu.memory_space<hbm>>) target(%dma_start3A_3 : memref<640x128xf32, #tpu.memory_space<vmem_shared>>) target_semaphore(%arg14 : memref<!tpu.dma_semaphore, #tpu.memory_space<semaphore_mem>>)
    %run_scoped3A = arith.constant 0 : i32
    "tpu.region"() ({
      %run_scoped3A_49 = tpu.sem_alloc : memref<!tpu.dma_semaphore, #tpu.memory_space<semaphore_mem>>
      %dma_start3A_50 = arith.constant 0 : i32
      %dma_start3A_51 = tpu.memref_slice %arg4[%run_scoped3A, %add3A, %dma_start3A_50] : memref<2x32x16xi32, #tpu.memory_space<hbm>> -> memref<1x1x16xi32, #tpu.memory_space<hbm>>
      %dma_start3A_52 = tpu.memref_squeeze %dma_start3A_51 : memref<1x1x16xi32, #tpu.memory_space<hbm>> -> memref<16xi32, #tpu.memory_space<hbm>>
      %dma_start3A_53 = arith.constant 0 : i32
      %dma_start3A_54 = tpu.memref_slice %arg4[%run_scoped3A, %add3A, %dma_start3A_53] : memref<2x32x16xi32, #tpu.memory_space<hbm>> -> memref<1x1x16xi32, #tpu.memory_space<hbm>>
      %dma_start3A_55 = tpu.memref_squeeze %dma_start3A_54 : memref<1x1x16xi32, #tpu.memory_space<hbm>> -> memref<16xi32, #tpu.memory_space<hbm>>
      tpu.enqueue_dma source(%dma_start3A_55 : memref<16xi32, #tpu.memory_space<hbm>>) target(%arg10 : memref<16xi32, #tpu.memory_space<vmem>>) target_semaphore(%run_scoped3A_49 : memref<!tpu.dma_semaphore, #tpu.memory_space<semaphore_mem>>)
      %dma_wait3A_56 = arith.constant 0 : i32
      %dma_wait3A_57 = tpu.memref_slice %arg4[%run_scoped3A, %add3A, %dma_wait3A_56] : memref<2x32x16xi32, #tpu.memory_space<hbm>> -> memref<1x1x16xi32, #tpu.memory_space<hbm>>
      %dma_wait3A_58 = tpu.memref_squeeze %dma_wait3A_57 : memref<1x1x16xi32, #tpu.memory_space<hbm>> -> memref<16xi32, #tpu.memory_space<hbm>>
      %dma_wait3A_59 = arith.constant 0 : i32
      %dma_wait3A_60 = tpu.memref_slice %arg4[%run_scoped3A, %add3A, %dma_wait3A_59] : memref<2x32x16xi32, #tpu.memory_space<hbm>> -> memref<1x1x16xi32, #tpu.memory_space<hbm>>
      %dma_wait3A_61 = tpu.memref_squeeze %dma_wait3A_60 : memref<1x1x16xi32, #tpu.memory_space<hbm>> -> memref<16xi32, #tpu.memory_space<hbm>>
      tpu.wait_dma2 semaphore(%run_scoped3A_49 : memref<!tpu.dma_semaphore, #tpu.memory_space<semaphore_mem>>) src(%dma_wait3A_61 : memref<16xi32, #tpu.memory_space<hbm>>) dst(%arg10 : memref<16xi32, #tpu.memory_space<vmem>>)
      tpu.yield
    }) : () -> ()
    %get3A = arith.constant 0 : index
    %get3A_4 = tpu.vector_load %arg10[%get3A] {strides = array<i32>} : memref<16xi32, #tpu.memory_space<vmem>>, vector<16xi32>,
    %reduce_max3A = arith.constant true
    %reduce_max3A_5 = vector.broadcast %reduce_max3A : i1 to vector<16xi1>
    %reduce_max3A_6 = arith.constant -2147483648 : i32
    %reduce_max3A_7 = vector.broadcast %reduce_max3A_6 : i32 to vector<16xi32>
    %reduce_max3A_8 = arith.xori %get3A_4, %reduce_max3A_7 : vector<16xi32>
    %reduce_max3A_9 = tpu.scan <max>, %reduce_max3A_8 masked %reduce_max3A_5 : vector<16xi32>, vector<16xi1> -> vector<16xi32>
    %reduce_max3A_10 = arith.xori %reduce_max3A_9, %reduce_max3A_7 : vector<16xi32>
    %reduce_max3A_11 = vector.extract %reduce_max3A_10[15] : i32 from vector<16xi32>
    %add3A_12 = arith.constant 128 : i32
    %add3A_13 = arith.addi %reduce_max3A_11, %add3A_12 : i32
    %sub3A = arith.constant 1 : i32
    %sub3A_14 = arith.subi %add3A_13, %sub3A : i32
    %jit3A = arith.constant 128 : i32
    %div3A = arith.divsi %sub3A_14, %jit3A : i32
    %sign3A = arith.constant 0 : i32
    %sign3A_15 = arith.cmpi sgt, %sub3A_14, %sign3A : i32
    %sign3A_16 = arith.extui %sign3A_15 : i1 to i32
    %sign3A_17 = arith.constant 0 : i32
    %sign3A_18 = arith.cmpi slt, %sub3A_14, %sign3A_17 : i32
    %sign3A_19 = arith.extui %sign3A_18 : i1 to i32
    %sign3A_20 = arith.subi %sign3A_16, %sign3A_19 : i32
    %sign3A_21 = arith.constant 0 : i32
    %sign3A_22 = arith.cmpi sgt, %jit3A, %sign3A_21 : i32
    %sign3A_23 = arith.extui %sign3A_22 : i1 to i32
    %sign3A_24 = arith.constant 0 : i32
    %sign3A_25 = arith.cmpi slt, %jit3A, %sign3A_24 : i32
    %sign3A_26 = arith.extui %sign3A_25 : i1 to i32
    %sign3A_27 = arith.subi %sign3A_23, %sign3A_26 : i32
    %ne3A = arith.cmpi ne, %sign3A_20, %sign3A_27 : i32
    %rem3A = arith.remsi %sub3A_14, %jit3A : i32
    %ne3A_28 = arith.constant 0 : i32
    %ne3A_29 = arith.cmpi ne, %rem3A, %ne3A_28 : i32
    %and3A = arith.andi %ne3A, %ne3A_29 : i1
    %sub3A_30 = arith.constant 1 : i32
    %sub3A_31 = arith.subi %div3A, %sub3A_30 : i32
    %select_n3A = arith.select %and3A, %sub3A_31, %div3A : i32
    %run_scoped3A_32 = arith.constant 0 : i32
    "tpu.region"() ({
      %run_scoped3A_49 = tpu.sem_alloc : memref<!tpu.dma_semaphore, #tpu.memory_space<semaphore_mem>>
      %dma_start3A_50 = arith.constant 0 : i32
      %dma_start3A_51 = arith.constant 0 : i32
      %dma_start3A_52 = tpu.memref_slice %arg2[%run_scoped3A_32, %add3A, %dma_start3A_50, %dma_start3A_51] : memref<2x32x80x128xi32, #tpu.memory_space<hbm>> -> memref<1x1x80x128xi32, #tpu.memory_space<hbm>>
      %dma_start3A_53 = tpu.memref_squeeze %dma_start3A_52 : memref<1x1x80x128xi32, #tpu.memory_space<hbm>> -> memref<80x128xi32, #tpu.memory_space<hbm>>
      %dma_start3A_54 = arith.constant 0 : i32
      %dma_start3A_55 = arith.constant 0 : i32
      %dma_start3A_56 = tpu.memref_slice %arg2[%run_scoped3A_32, %add3A, %dma_start3A_54, %dma_start3A_55] : memref<2x32x80x128xi32, #tpu.memory_space<hbm>> -> memref<1x1x80x128xi32, #tpu.memory_space<hbm>>
      %dma_start3A_57 = tpu.memref_squeeze %dma_start3A_56 : memref<1x1x80x128xi32, #tpu.memory_space<hbm>> -> memref<80x128xi32, #tpu.memory_space<hbm>>
      tpu.enqueue_dma source(%dma_start3A_57 : memref<80x128xi32, #tpu.memory_space<hbm>>) target(%arg8 : memref<80x128xi32, #tpu.memory_space<vmem>>) target_semaphore(%run_scoped3A_49 : memref<!tpu.dma_semaphore, #tpu.memory_space<semaphore_mem>>)
      %dma_wait3A_58 = arith.constant 0 : i32
      %dma_wait3A_59 = arith.constant 0 : i32
      %dma_wait3A_60 = tpu.memref_slice %arg2[%run_scoped3A_32, %add3A, %dma_wait3A_58, %dma_wait3A_59] : memref<2x32x80x128xi32, #tpu.memory_space<hbm>> -> memref<1x1x80x128xi32, #tpu.memory_space<hbm>>
      %dma_wait3A_61 = tpu.memref_squeeze %dma_wait3A_60 : memref<1x1x80x128xi32, #tpu.memory_space<hbm>> -> memref<80x128xi32, #tpu.memory_space<hbm>>
      %dma_wait3A_62 = arith.constant 0 : i32
      %dma_wait3A_63 = arith.constant 0 : i32
      %dma_wait3A_64 = tpu.memref_slice %arg2[%run_scoped3A_32, %add3A, %dma_wait3A_62, %dma_wait3A_63] : memref<2x32x80x128xi32, #tpu.memory_space<hbm>> -> memref<1x1x80x128xi32, #tpu.memory_space<hbm>>
      %dma_wait3A_65 = tpu.memref_squeeze %dma_wait3A_64 : memref<1x1x80x128xi32, #tpu.memory_space<hbm>> -> memref<80x128xi32, #tpu.memory_space<hbm>>
      tpu.wait_dma2 semaphore(%run_scoped3A_49 : memref<!tpu.dma_semaphore, #tpu.memory_space<semaphore_mem>>) src(%dma_wait3A_65 : memref<80x128xi32, #tpu.memory_space<hbm>>) dst(%arg8 : memref<80x128xi32, #tpu.memory_space<vmem>>)
      tpu.yield
    }) : () -> ()
    %run_scoped3A_33 = arith.constant 0 : i32
    "tpu.region"() ({
      %run_scoped3A_49 = tpu.sem_alloc : memref<!tpu.dma_semaphore, #tpu.memory_space<semaphore_mem>>
      %dma_start3A_50 = arith.constant 0 : i32
      %dma_start3A_51 = arith.constant 0 : i32
      %dma_start3A_52 = tpu.memref_slice %arg3[%run_scoped3A_33, %add3A, %dma_start3A_50, %dma_start3A_51] : memref<2x32x80x128xi32, #tpu.memory_space<hbm>> -> memref<1x1x80x128xi32, #tpu.memory_space<hbm>>
      %dma_start3A_53 = tpu.memref_squeeze %dma_start3A_52 : memref<1x1x80x128xi32, #tpu.memory_space<hbm>> -> memref<80x128xi32, #tpu.memory_space<hbm>>
      %dma_start3A_54 = arith.constant 0 : i32
      %dma_start3A_55 = arith.constant 0 : i32
      %dma_start3A_56 = tpu.memref_slice %arg3[%run_scoped3A_33, %add3A, %dma_start3A_54, %dma_start3A_55] : memref<2x32x80x128xi32, #tpu.memory_space<hbm>> -> memref<1x1x80x128xi32, #tpu.memory_space<hbm>>
      %dma_start3A_57 = tpu.memref_squeeze %dma_start3A_56 : memref<1x1x80x128xi32, #tpu.memory_space<hbm>> -> memref<80x128xi32, #tpu.memory_space<hbm>>
      tpu.enqueue_dma source(%dma_start3A_57 : memref<80x128xi32, #tpu.memory_space<hbm>>) target(%arg9 : memref<80x128xi32, #tpu.memory_space<vmem>>) target_semaphore(%run_scoped3A_49 : memref<!tpu.dma_semaphore, #tpu.memory_space<semaphore_mem>>)
      %dma_wait3A_58 = arith.constant 0 : i32
      %dma_wait3A_59 = arith.constant 0 : i32
      %dma_wait3A_60 = tpu.memref_slice %arg3[%run_scoped3A_33, %add3A, %dma_wait3A_58, %dma_wait3A_59] : memref<2x32x80x128xi32, #tpu.memory_space<hbm>> -> memref<1x1x80x128xi32, #tpu.memory_space<hbm>>
      %dma_wait3A_61 = tpu.memref_squeeze %dma_wait3A_60 : memref<1x1x80x128xi32, #tpu.memory_space<hbm>> -> memref<80x128xi32, #tpu.memory_space<hbm>>
      %dma_wait3A_62 = arith.constant 0 : i32
      %dma_wait3A_63 = arith.constant 0 : i32
      %dma_wait3A_64 = tpu.memref_slice %arg3[%run_scoped3A_33, %add3A, %dma_wait3A_62, %dma_wait3A_63] : memref<2x32x80x128xi32, #tpu.memory_space<hbm>> -> memref<1x1x80x128xi32, #tpu.memory_space<hbm>>
      %dma_wait3A_65 = tpu.memref_squeeze %dma_wait3A_64 : memref<1x1x80x128xi32, #tpu.memory_space<hbm>> -> memref<80x128xi32, #tpu.memory_space<hbm>>
      tpu.wait_dma2 semaphore(%run_scoped3A_49 : memref<!tpu.dma_semaphore, #tpu.memory_space<semaphore_mem>>) src(%dma_wait3A_65 : memref<80x128xi32, #tpu.memory_space<hbm>>) dst(%arg9 : memref<80x128xi32, #tpu.memory_space<vmem>>)
      tpu.yield
    }) : () -> ()
    %dma_wait3A = arith.constant 0 : i32
    %dma_wait3A_34 = tpu.memref_slice %arg12[%mul3A_2, %dma_wait3A] : memref<10240x128xf32, #tpu.memory_space<vmem_shared>> -> memref<640x128xf32, #tpu.memory_space<vmem_shared>>
    tpu.wait_dma2 semaphore(%arg14 : memref<!tpu.dma_semaphore, #tpu.memory_space<semaphore_mem>>) src(%arg6 : memref<640x128xf32, #tpu.memory_space<hbm>>) dst(%dma_wait3A_34 : memref<640x128xf32, #tpu.memory_space<vmem_shared>>)
    %barrier3A = arith.constant 0 : index
    tpu.barrier barrier_id(%barrier3A)
    %while3A = arith.constant 0 : i32
    %while3A_35 = arith.constant 0 : i32
    %while3A_36 = arith.subi %select_n3A, %while3A_35 : i32
    %while3A_37 = arith.addi %while3A_35, %while3A_36 : i32
    %while3A_38 = arith.constant 1 : i32
    %while3A_39 = arith.divsi %while3A_36, %while3A_38 : i32
    %while3A_40 = arith.muli %while3A_39, %while3A_38 : i32
    %while3A_41 = arith.addi %while3A_35, %while3A_40 : i32
    %while3A_42 = arith.constant 1 : i32
    scf.for %while3A_49 = %while3A_35 to %while3A_41 step %while3A_42  : i32 {
      %dma_start3A_50 = arith.constant 0 : i32
      %dma_start3A_51 = tpu.memref_slice %arg8[%while3A_49, %dma_start3A_50] : memref<80x128xi32, #tpu.memory_space<vmem>> -> memref<1x128xi32, #tpu.memory_space<vmem>>
      %dma_start3A_52 = tpu.memref_squeeze %dma_start3A_51 : memref<1x128xi32, #tpu.memory_space<vmem>> -> memref<128xi32, #tpu.memory_space<vmem>>
      %dma_start3A_53 = arith.constant 0 : i32
      %dma_start3A_54 = arith.constant 0 : i32
      %dma_start3A_55 = tpu.memref_slice %arg5[%dma_start3A_53, %dma_start3A_54] : memref<10240x128xf32, #tpu.memory_space<hbm>> -> memref<10240x128xf32, #tpu.memory_space<hbm>>
      tpu.enqueue_indirect_dma source(%dma_start3A_55 : memref<10240x128xf32, #tpu.memory_space<hbm>>) target(%arg11 : memref<128x128xf32, #tpu.memory_space<vmem>>) offsets(%dma_start3A_52 : memref<128xi32, #tpu.memory_space<vmem>>) semaphore(%arg13 : memref<!tpu.dma_semaphore, #tpu.memory_space<semaphore_mem>>)
      %dma_wait3A_56 = arith.constant 0 : i32
      %dma_wait3A_57 = tpu.memref_slice %arg8[%while3A_49, %dma_wait3A_56] : memref<80x128xi32, #tpu.memory_space<vmem>> -> memref<1x128xi32, #tpu.memory_space<vmem>>
      %dma_wait3A_58 = tpu.memref_squeeze %dma_wait3A_57 : memref<1x128xi32, #tpu.memory_space<vmem>> -> memref<128xi32, #tpu.memory_space<vmem>>
      %dma_wait3A_59 = arith.constant 0 : i32
      %dma_wait3A_60 = arith.constant 0 : i32
      %dma_wait3A_61 = tpu.memref_slice %arg5[%dma_wait3A_59, %dma_wait3A_60] : memref<10240x128xf32, #tpu.memory_space<hbm>> -> memref<10240x128xf32, #tpu.memory_space<hbm>>
      tpu.wait_indirect_dma semaphore(%arg13 : memref<!tpu.dma_semaphore, #tpu.memory_space<semaphore_mem>>) src(%dma_wait3A_61 : memref<10240x128xf32, #tpu.memory_space<hbm>>) dst(%arg11 : memref<128x128xf32, #tpu.memory_space<vmem>>)
      "tpu.region"() ({
        %run_scoped3A_62 = tpu.sem_alloc : memref<!tpu.dma_semaphore, #tpu.memory_space<semaphore_mem>>
        %dma_start3A_63 = arith.constant 0 : i32
        %dma_start3A_64 = tpu.memref_slice %arg9[%while3A_49, %dma_start3A_63] : memref<80x128xi32, #tpu.memory_space<vmem>> -> memref<1x128xi32, #tpu.memory_space<vmem>>
        %dma_start3A_65 = tpu.memref_squeeze %dma_start3A_64 : memref<1x128xi32, #tpu.memory_space<vmem>> -> memref<128xi32, #tpu.memory_space<vmem>>
        %dma_start3A_66 = arith.constant 0 : i32
        %dma_start3A_67 = arith.constant 0 : i32
        %dma_start3A_68 = tpu.memref_slice %arg12[%dma_start3A_66, %dma_start3A_67] : memref<10240x128xf32, #tpu.memory_space<vmem_shared>> -> memref<10240x128xf32, #tpu.memory_space<vmem_shared>>
        tpu.enqueue_indirect_dma source(%arg11 : memref<128x128xf32, #tpu.memory_space<vmem>>) target(%dma_start3A_68 : memref<10240x128xf32, #tpu.memory_space<vmem_shared>>) offsets(%dma_start3A_65 : memref<128xi32, #tpu.memory_space<vmem>>) semaphore(%run_scoped3A_62 : memref<!tpu.dma_semaphore, #tpu.memory_space<semaphore_mem>>) {add = true}
        %dma_wait3A_69 = arith.constant 0 : i32
        %dma_wait3A_70 = tpu.memref_slice %arg9[%while3A_49, %dma_wait3A_69] : memref<80x128xi32, #tpu.memory_space<vmem>> -> memref<1x128xi32, #tpu.memory_space<vmem>>
        %dma_wait3A_71 = tpu.memref_squeeze %dma_wait3A_70 : memref<1x128xi32, #tpu.memory_space<vmem>> -> memref<128xi32, #tpu.memory_space<vmem>>
        %dma_wait3A_72 = arith.constant 0 : i32
        %dma_wait3A_73 = arith.constant 0 : i32
        %dma_wait3A_74 = tpu.memref_slice %arg12[%dma_wait3A_72, %dma_wait3A_73] : memref<10240x128xf32, #tpu.memory_space<vmem_shared>> -> memref<10240x128xf32, #tpu.memory_space<vmem_shared>>
        tpu.wait_indirect_dma semaphore(%run_scoped3A_62 : memref<!tpu.dma_semaphore, #tpu.memory_space<semaphore_mem>>) src(%arg11 : memref<128x128xf32, #tpu.memory_space<vmem>>) dst(%dma_wait3A_74 : memref<10240x128xf32, #tpu.memory_space<vmem_shared>>)
        tpu.yield
      }) : () -> ()
    }
    %while3A_43 = arith.constant 1 : i32
    scf.for %while3A_49 = %while3A_41 to %while3A_37 step %while3A_43  : i32 {
      %dma_start3A_50 = arith.constant 0 : i32
      %dma_start3A_51 = tpu.memref_slice %arg8[%while3A_49, %dma_start3A_50] : memref<80x128xi32, #tpu.memory_space<vmem>> -> memref<1x128xi32, #tpu.memory_space<vmem>>
      %dma_start3A_52 = tpu.memref_squeeze %dma_start3A_51 : memref<1x128xi32, #tpu.memory_space<vmem>> -> memref<128xi32, #tpu.memory_space<vmem>>
      %dma_start3A_53 = arith.constant 0 : i32
      %dma_start3A_54 = arith.constant 0 : i32
      %dma_start3A_55 = tpu.memref_slice %arg5[%dma_start3A_53, %dma_start3A_54] : memref<10240x128xf32, #tpu.memory_space<hbm>> -> memref<10240x128xf32, #tpu.memory_space<hbm>>
      tpu.enqueue_indirect_dma source(%dma_start3A_55 : memref<10240x128xf32, #tpu.memory_space<hbm>>) target(%arg11 : memref<128x128xf32, #tpu.memory_space<vmem>>) offsets(%dma_start3A_52 : memref<128xi32, #tpu.memory_space<vmem>>) semaphore(%arg13 : memref<!tpu.dma_semaphore, #tpu.memory_space<semaphore_mem>>)
      %dma_wait3A_56 = arith.constant 0 : i32
      %dma_wait3A_57 = tpu.memref_slice %arg8[%while3A_49, %dma_wait3A_56] : memref<80x128xi32, #tpu.memory_space<vmem>> -> memref<1x128xi32, #tpu.memory_space<vmem>>
      %dma_wait3A_58 = tpu.memref_squeeze %dma_wait3A_57 : memref<1x128xi32, #tpu.memory_space<vmem>> -> memref<128xi32, #tpu.memory_space<vmem>>
      %dma_wait3A_59 = arith.constant 0 : i32
      %dma_wait3A_60 = arith.constant 0 : i32
      %dma_wait3A_61 = tpu.memref_slice %arg5[%dma_wait3A_59, %dma_wait3A_60] : memref<10240x128xf32, #tpu.memory_space<hbm>> -> memref<10240x128xf32, #tpu.memory_space<hbm>>
      tpu.wait_indirect_dma semaphore(%arg13 : memref<!tpu.dma_semaphore, #tpu.memory_space<semaphore_mem>>) src(%dma_wait3A_61 : memref<10240x128xf32, #tpu.memory_space<hbm>>) dst(%arg11 : memref<128x128xf32, #tpu.memory_space<vmem>>)
      "tpu.region"() ({
        %run_scoped3A_62 = tpu.sem_alloc : memref<!tpu.dma_semaphore, #tpu.memory_space<semaphore_mem>>
        %dma_start3A_63 = arith.constant 0 : i32
        %dma_start3A_64 = tpu.memref_slice %arg9[%while3A_49, %dma_start3A_63] : memref<80x128xi32, #tpu.memory_space<vmem>> -> memref<1x128xi32, #tpu.memory_space<vmem>>
        %dma_start3A_65 = tpu.memref_squeeze %dma_start3A_64 : memref<1x128xi32, #tpu.memory_space<vmem>> -> memref<128xi32, #tpu.memory_space<vmem>>
        %dma_start3A_66 = arith.constant 0 : i32
        %dma_start3A_67 = arith.constant 0 : i32
        %dma_start3A_68 = tpu.memref_slice %arg12[%dma_start3A_66, %dma_start3A_67] : memref<10240x128xf32, #tpu.memory_space<vmem_shared>> -> memref<10240x128xf32, #tpu.memory_space<vmem_shared>>
        tpu.enqueue_indirect_dma source(%arg11 : memref<128x128xf32, #tpu.memory_space<vmem>>) target(%dma_start3A_68 : memref<10240x128xf32, #tpu.memory_space<vmem_shared>>) offsets(%dma_start3A_65 : memref<128xi32, #tpu.memory_space<vmem>>) semaphore(%run_scoped3A_62 : memref<!tpu.dma_semaphore, #tpu.memory_space<semaphore_mem>>) {add = true}
        %dma_wait3A_69 = arith.constant 0 : i32
        %dma_wait3A_70 = tpu.memref_slice %arg9[%while3A_49, %dma_wait3A_69] : memref<80x128xi32, #tpu.memory_space<vmem>> -> memref<1x128xi32, #tpu.memory_space<vmem>>
        %dma_wait3A_71 = tpu.memref_squeeze %dma_wait3A_70 : memref<1x128xi32, #tpu.memory_space<vmem>> -> memref<128xi32, #tpu.memory_space<vmem>>
        %dma_wait3A_72 = arith.constant 0 : i32
        %dma_wait3A_73 = arith.constant 0 : i32
        %dma_wait3A_74 = tpu.memref_slice %arg12[%dma_wait3A_72, %dma_wait3A_73] : memref<10240x128xf32, #tpu.memory_space<vmem_shared>> -> memref<10240x128xf32, #tpu.memory_space<vmem_shared>>
        tpu.wait_indirect_dma semaphore(%run_scoped3A_62 : memref<!tpu.dma_semaphore, #tpu.memory_space<semaphore_mem>>) src(%arg11 : memref<128x128xf32, #tpu.memory_space<vmem>>) dst(%dma_wait3A_74 : memref<10240x128xf32, #tpu.memory_space<vmem_shared>>)
        tpu.yield
      }) : () -> ()
    }
    %barrier3A_44 = arith.constant 0 : index
    tpu.barrier barrier_id(%barrier3A_44)
    %mul3A_45 = arith.constant 640 : i32
    %mul3A_46 = arith.muli %arg1, %mul3A_45 : i32
    %mul3A_47 = arith.constant 640 : i32
    %mul3A_48 = arith.muli %arg1, %mul3A_47 : i32
    "tpu.region"() ({
      %run_scoped3A_49 = tpu.sem_alloc : memref<!tpu.dma_semaphore, #tpu.memory_space<semaphore_mem>>
      %dma_start3A_50 = arith.constant 0 : i32
      %dma_start3A_51 = tpu.memref_slice %arg7[%arg0, %mul3A_48, %dma_start3A_50] : memref<2x10240x128xf32, #tpu.memory_space<hbm>> -> memref<1x640x128xf32, #tpu.memory_space<hbm>>
      %dma_start3A_52 = tpu.memref_squeeze %dma_start3A_51 : memref<1x640x128xf32, #tpu.memory_space<hbm>> -> memref<640x128xf32, #tpu.memory_space<hbm>>
      %dma_start3A_53 = arith.constant 0 : i32
      %dma_start3A_54 = tpu.memref_slice %arg12[%mul3A_46, %dma_start3A_53] : memref<10240x128xf32, #tpu.memory_space<vmem_shared>> -> memref<640x128xf32, #tpu.memory_space<vmem_shared>>
      tpu.enqueue_dma source(%dma_start3A_54 : memref<640x128xf32, #tpu.memory_space<vmem_shared>>) target(%dma_start3A_52 : memref<640x128xf32, #tpu.memory_space<hbm>>) target_semaphore(%run_scoped3A_49 : memref<!tpu.dma_semaphore, #tpu.memory_space<semaphore_mem>>)
      %dma_wait3A_55 = arith.constant 0 : i32
      %dma_wait3A_56 = tpu.memref_slice %arg7[%arg0, %mul3A_48, %dma_wait3A_55] : memref<2x10240x128xf32, #tpu.memory_space<hbm>> -> memref<1x640x128xf32, #tpu.memory_space<hbm>>
      %dma_wait3A_57 = tpu.memref_squeeze %dma_wait3A_56 : memref<1x640x128xf32, #tpu.memory_space<hbm>> -> memref<640x128xf32, #tpu.memory_space<hbm>>
      %dma_wait3A_58 = arith.constant 0 : i32
      %dma_wait3A_59 = tpu.memref_slice %arg12[%mul3A_46, %dma_wait3A_58] : memref<10240x128xf32, #tpu.memory_space<vmem_shared>> -> memref<640x128xf32, #tpu.memory_space<vmem_shared>>
      tpu.wait_dma2 semaphore(%run_scoped3A_49 : memref<!tpu.dma_semaphore, #tpu.memory_space<semaphore_mem>>) src(%dma_wait3A_59 : memref<640x128xf32, #tpu.memory_space<vmem_shared>>) dst(%dma_wait3A_57 : memref<640x128xf32, #tpu.memory_space<hbm>>)
      tpu.yield
    }) : () -> ()
    return
  }
}

#map = affine_map<(d0, d1) -> (0, 0, 0, 0)>
#map1 = affine_map<(d0, d1) -> (0, 0, 0)>
#map2 = affine_map<(d0, d1) -> (0, 0)>
module attributes {stable_mosaic.version = 14 : i64} {
  func.func @sc_pass(%arg0: i32, %arg1: i32, %arg2: memref<2x32x80x128xi32, #tpu.memory_space<hbm>>, %arg3: memref<2x32x80x128xi32, #tpu.memory_space<hbm>>, %arg4: memref<2x32x16xi32, #tpu.memory_space<hbm>>, %arg5: memref<20480x128xf32, #tpu.memory_space<hbm>>, %arg6: memref<640x128xf32, #tpu.memory_space<hbm>>, %arg7: memref<2x10240x128xf32, #tpu.memory_space<hbm>>, %arg8: memref<80x128xi32, #tpu.memory_space<vmem>>, %arg9: memref<80x128xi32, #tpu.memory_space<vmem>>, %arg10: memref<16xi32, #tpu.memory_space<vmem>>, %arg11: memref<128x128xf32, #tpu.memory_space<vmem>>, %arg12: memref<10240x128xf32, #tpu.memory_space<vmem_shared>>, %arg13: memref<!tpu.dma_semaphore, #tpu.memory_space<semaphore_mem>>, %arg14: memref<!tpu.dma_semaphore, #tpu.memory_space<semaphore_mem>>) attributes {dimension_semantics = [#tpu.dimension_semantics<core_parallel>, #tpu.dimension_semantics<subcore_parallel>], iteration_bounds = array<i64: 2, 16>, scalar_prefetch = 0 : i64, scratch_operands = 7 : i64, tpu.core_type = #tpu.core_type<sc_vector_subcore>, window_params = [{transform_indices = #map}, {transform_indices = #map}, {transform_indices = #map1}, {transform_indices = #map2}, {transform_indices = #map2}, {transform_indices = #map1}]} {
    %mul3A = arith.constant 16 : i32
    %mul3A_0 = arith.muli %arg0, %mul3A : i32
    %add3A = arith.addi %mul3A_0, %arg1 : i32
    %mul3A_1 = arith.constant 640 : i32
    %mul3A_2 = arith.muli %arg1, %mul3A_1 : i32
    %dma_start3A = arith.constant 0 : i32
    %dma_start3A_3 = tpu.memref_slice %arg12[%mul3A_2, %dma_start3A] : memref<10240x128xf32, #tpu.memory_space<vmem_shared>> -> memref<640x128xf32, #tpu.memory_space<vmem_shared>>
    tpu.enqueue_dma source(%arg6 : memref<640x128xf32, #tpu.memory_space<hbm>>) target(%dma_start3A_3 : memref<640x128xf32, #tpu.memory_space<vmem_shared>>) target_semaphore(%arg14 : memref<!tpu.dma_semaphore, #tpu.memory_space<semaphore_mem>>)
    %run_scoped3A = arith.constant 0 : i32
    "tpu.region"() ({
      %run_scoped3A_100 = tpu.sem_alloc : memref<!tpu.dma_semaphore, #tpu.memory_space<semaphore_mem>>
      %dma_start3A_101 = arith.constant 0 : i32
      %dma_start3A_102 = tpu.memref_slice %arg4[%run_scoped3A, %add3A, %dma_start3A_101] : memref<2x32x16xi32, #tpu.memory_space<hbm>> -> memref<1x1x16xi32, #tpu.memory_space<hbm>>
      %dma_start3A_103 = tpu.memref_squeeze %dma_start3A_102 : memref<1x1x16xi32, #tpu.memory_space<hbm>> -> memref<16xi32, #tpu.memory_space<hbm>>
      %dma_start3A_104 = arith.constant 0 : i32
      %dma_start3A_105 = tpu.memref_slice %arg4[%run_scoped3A, %add3A, %dma_start3A_104] : memref<2x32x16xi32, #tpu.memory_space<hbm>> -> memref<1x1x16xi32, #tpu.memory_space<hbm>>
      %dma_start3A_106 = tpu.memref_squeeze %dma_start3A_105 : memref<1x1x16xi32, #tpu.memory_space<hbm>> -> memref<16xi32, #tpu.memory_space<hbm>>
      tpu.enqueue_dma source(%dma_start3A_106 : memref<16xi32, #tpu.memory_space<hbm>>) target(%arg10 : memref<16xi32, #tpu.memory_space<vmem>>) target_semaphore(%run_scoped3A_100 : memref<!tpu.dma_semaphore, #tpu.memory_space<semaphore_mem>>)
      %dma_wait3A_107 = arith.constant 0 : i32
      %dma_wait3A_108 = tpu.memref_slice %arg4[%run_scoped3A, %add3A, %dma_wait3A_107] : memref<2x32x16xi32, #tpu.memory_space<hbm>> -> memref<1x1x16xi32, #tpu.memory_space<hbm>>
      %dma_wait3A_109 = tpu.memref_squeeze %dma_wait3A_108 : memref<1x1x16xi32, #tpu.memory_space<hbm>> -> memref<16xi32, #tpu.memory_space<hbm>>
      %dma_wait3A_110 = arith.constant 0 : i32
      %dma_wait3A_111 = tpu.memref_slice %arg4[%run_scoped3A, %add3A, %dma_wait3A_110] : memref<2x32x16xi32, #tpu.memory_space<hbm>> -> memref<1x1x16xi32, #tpu.memory_space<hbm>>
      %dma_wait3A_112 = tpu.memref_squeeze %dma_wait3A_111 : memref<1x1x16xi32, #tpu.memory_space<hbm>> -> memref<16xi32, #tpu.memory_space<hbm>>
      tpu.wait_dma2 semaphore(%run_scoped3A_100 : memref<!tpu.dma_semaphore, #tpu.memory_space<semaphore_mem>>) src(%dma_wait3A_112 : memref<16xi32, #tpu.memory_space<hbm>>) dst(%arg10 : memref<16xi32, #tpu.memory_space<vmem>>)
      tpu.yield
    }) : () -> ()
    %get3A = arith.constant 0 : index
    %get3A_4 = tpu.vector_load %arg10[%get3A] {strides = array<i32>} : memref<16xi32, #tpu.memory_space<vmem>>, vector<16xi32>,
    %reduce_max3A = arith.constant true
    %reduce_max3A_5 = vector.broadcast %reduce_max3A : i1 to vector<16xi1>
    %reduce_max3A_6 = arith.constant -2147483648 : i32
    %reduce_max3A_7 = vector.broadcast %reduce_max3A_6 : i32 to vector<16xi32>
    %reduce_max3A_8 = arith.xori %get3A_4, %reduce_max3A_7 : vector<16xi32>
    %reduce_max3A_9 = tpu.scan <max>, %reduce_max3A_8 masked %reduce_max3A_5 : vector<16xi32>, vector<16xi1> -> vector<16xi32>
    %reduce_max3A_10 = arith.xori %reduce_max3A_9, %reduce_max3A_7 : vector<16xi32>
    %reduce_max3A_11 = vector.extract %reduce_max3A_10[15] : i32 from vector<16xi32>
    %add3A_12 = arith.constant 128 : i32
    %add3A_13 = arith.addi %reduce_max3A_11, %add3A_12 : i32
    %sub3A = arith.constant 1 : i32
    %sub3A_14 = arith.subi %add3A_13, %sub3A : i32
    %jit3A = arith.constant 128 : i32
    %div3A = arith.divsi %sub3A_14, %jit3A : i32
    %sign3A = arith.constant 0 : i32
    %sign3A_15 = arith.cmpi sgt, %sub3A_14, %sign3A : i32
    %sign3A_16 = arith.extui %sign3A_15 : i1 to i32
    %sign3A_17 = arith.constant 0 : i32
    %sign3A_18 = arith.cmpi slt, %sub3A_14, %sign3A_17 : i32
    %sign3A_19 = arith.extui %sign3A_18 : i1 to i32
    %sign3A_20 = arith.subi %sign3A_16, %sign3A_19 : i32
    %sign3A_21 = arith.constant 0 : i32
    %sign3A_22 = arith.cmpi sgt, %jit3A, %sign3A_21 : i32
    %sign3A_23 = arith.extui %sign3A_22 : i1 to i32
    %sign3A_24 = arith.constant 0 : i32
    %sign3A_25 = arith.cmpi slt, %jit3A, %sign3A_24 : i32
    %sign3A_26 = arith.extui %sign3A_25 : i1 to i32
    %sign3A_27 = arith.subi %sign3A_23, %sign3A_26 : i32
    %ne3A = arith.cmpi ne, %sign3A_20, %sign3A_27 : i32
    %rem3A = arith.remsi %sub3A_14, %jit3A : i32
    %ne3A_28 = arith.constant 0 : i32
    %ne3A_29 = arith.cmpi ne, %rem3A, %ne3A_28 : i32
    %and3A = arith.andi %ne3A, %ne3A_29 : i1
    %sub3A_30 = arith.constant 1 : i32
    %sub3A_31 = arith.subi %div3A, %sub3A_30 : i32
    %select_n3A = arith.select %and3A, %sub3A_31, %div3A : i32
    %run_scoped3A_32 = arith.constant 0 : i32
    "tpu.region"() ({
      %run_scoped3A_100 = tpu.sem_alloc : memref<!tpu.dma_semaphore, #tpu.memory_space<semaphore_mem>>
      %dma_start3A_101 = arith.constant 0 : i32
      %dma_start3A_102 = arith.constant 0 : i32
      %dma_start3A_103 = tpu.memref_slice %arg2[%run_scoped3A_32, %add3A, %dma_start3A_101, %dma_start3A_102] : memref<2x32x80x128xi32, #tpu.memory_space<hbm>> -> memref<1x1x80x128xi32, #tpu.memory_space<hbm>>
      %dma_start3A_104 = tpu.memref_squeeze %dma_start3A_103 : memref<1x1x80x128xi32, #tpu.memory_space<hbm>> -> memref<80x128xi32, #tpu.memory_space<hbm>>
      %dma_start3A_105 = arith.constant 0 : i32
      %dma_start3A_106 = arith.constant 0 : i32
      %dma_start3A_107 = tpu.memref_slice %arg2[%run_scoped3A_32, %add3A, %dma_start3A_105, %dma_start3A_106] : memref<2x32x80x128xi32, #tpu.memory_space<hbm>> -> memref<1x1x80x128xi32, #tpu.memory_space<hbm>>
      %dma_start3A_108 = tpu.memref_squeeze %dma_start3A_107 : memref<1x1x80x128xi32, #tpu.memory_space<hbm>> -> memref<80x128xi32, #tpu.memory_space<hbm>>
      tpu.enqueue_dma source(%dma_start3A_108 : memref<80x128xi32, #tpu.memory_space<hbm>>) target(%arg8 : memref<80x128xi32, #tpu.memory_space<vmem>>) target_semaphore(%run_scoped3A_100 : memref<!tpu.dma_semaphore, #tpu.memory_space<semaphore_mem>>)
      %dma_wait3A_109 = arith.constant 0 : i32
      %dma_wait3A_110 = arith.constant 0 : i32
      %dma_wait3A_111 = tpu.memref_slice %arg2[%run_scoped3A_32, %add3A, %dma_wait3A_109, %dma_wait3A_110] : memref<2x32x80x128xi32, #tpu.memory_space<hbm>> -> memref<1x1x80x128xi32, #tpu.memory_space<hbm>>
      %dma_wait3A_112 = tpu.memref_squeeze %dma_wait3A_111 : memref<1x1x80x128xi32, #tpu.memory_space<hbm>> -> memref<80x128xi32, #tpu.memory_space<hbm>>
      %dma_wait3A_113 = arith.constant 0 : i32
      %dma_wait3A_114 = arith.constant 0 : i32
      %dma_wait3A_115 = tpu.memref_slice %arg2[%run_scoped3A_32, %add3A, %dma_wait3A_113, %dma_wait3A_114] : memref<2x32x80x128xi32, #tpu.memory_space<hbm>> -> memref<1x1x80x128xi32, #tpu.memory_space<hbm>>
      %dma_wait3A_116 = tpu.memref_squeeze %dma_wait3A_115 : memref<1x1x80x128xi32, #tpu.memory_space<hbm>> -> memref<80x128xi32, #tpu.memory_space<hbm>>
      tpu.wait_dma2 semaphore(%run_scoped3A_100 : memref<!tpu.dma_semaphore, #tpu.memory_space<semaphore_mem>>) src(%dma_wait3A_116 : memref<80x128xi32, #tpu.memory_space<hbm>>) dst(%arg8 : memref<80x128xi32, #tpu.memory_space<vmem>>)
      tpu.yield
    }) : () -> ()
    %run_scoped3A_33 = arith.constant 0 : i32
    "tpu.region"() ({
      %run_scoped3A_100 = tpu.sem_alloc : memref<!tpu.dma_semaphore, #tpu.memory_space<semaphore_mem>>
      %dma_start3A_101 = arith.constant 0 : i32
      %dma_start3A_102 = arith.constant 0 : i32
      %dma_start3A_103 = tpu.memref_slice %arg3[%run_scoped3A_33, %add3A, %dma_start3A_101, %dma_start3A_102] : memref<2x32x80x128xi32, #tpu.memory_space<hbm>> -> memref<1x1x80x128xi32, #tpu.memory_space<hbm>>
      %dma_start3A_104 = tpu.memref_squeeze %dma_start3A_103 : memref<1x1x80x128xi32, #tpu.memory_space<hbm>> -> memref<80x128xi32, #tpu.memory_space<hbm>>
      %dma_start3A_105 = arith.constant 0 : i32
      %dma_start3A_106 = arith.constant 0 : i32
      %dma_start3A_107 = tpu.memref_slice %arg3[%run_scoped3A_33, %add3A, %dma_start3A_105, %dma_start3A_106] : memref<2x32x80x128xi32, #tpu.memory_space<hbm>> -> memref<1x1x80x128xi32, #tpu.memory_space<hbm>>
      %dma_start3A_108 = tpu.memref_squeeze %dma_start3A_107 : memref<1x1x80x128xi32, #tpu.memory_space<hbm>> -> memref<80x128xi32, #tpu.memory_space<hbm>>
      tpu.enqueue_dma source(%dma_start3A_108 : memref<80x128xi32, #tpu.memory_space<hbm>>) target(%arg9 : memref<80x128xi32, #tpu.memory_space<vmem>>) target_semaphore(%run_scoped3A_100 : memref<!tpu.dma_semaphore, #tpu.memory_space<semaphore_mem>>)
      %dma_wait3A_109 = arith.constant 0 : i32
      %dma_wait3A_110 = arith.constant 0 : i32
      %dma_wait3A_111 = tpu.memref_slice %arg3[%run_scoped3A_33, %add3A, %dma_wait3A_109, %dma_wait3A_110] : memref<2x32x80x128xi32, #tpu.memory_space<hbm>> -> memref<1x1x80x128xi32, #tpu.memory_space<hbm>>
      %dma_wait3A_112 = tpu.memref_squeeze %dma_wait3A_111 : memref<1x1x80x128xi32, #tpu.memory_space<hbm>> -> memref<80x128xi32, #tpu.memory_space<hbm>>
      %dma_wait3A_113 = arith.constant 0 : i32
      %dma_wait3A_114 = arith.constant 0 : i32
      %dma_wait3A_115 = tpu.memref_slice %arg3[%run_scoped3A_33, %add3A, %dma_wait3A_113, %dma_wait3A_114] : memref<2x32x80x128xi32, #tpu.memory_space<hbm>> -> memref<1x1x80x128xi32, #tpu.memory_space<hbm>>
      %dma_wait3A_116 = tpu.memref_squeeze %dma_wait3A_115 : memref<1x1x80x128xi32, #tpu.memory_space<hbm>> -> memref<80x128xi32, #tpu.memory_space<hbm>>
      tpu.wait_dma2 semaphore(%run_scoped3A_100 : memref<!tpu.dma_semaphore, #tpu.memory_space<semaphore_mem>>) src(%dma_wait3A_116 : memref<80x128xi32, #tpu.memory_space<hbm>>) dst(%arg9 : memref<80x128xi32, #tpu.memory_space<vmem>>)
      tpu.yield
    }) : () -> ()
    %dma_wait3A = arith.constant 0 : i32
    %dma_wait3A_34 = tpu.memref_slice %arg12[%mul3A_2, %dma_wait3A] : memref<10240x128xf32, #tpu.memory_space<vmem_shared>> -> memref<640x128xf32, #tpu.memory_space<vmem_shared>>
    tpu.wait_dma2 semaphore(%arg14 : memref<!tpu.dma_semaphore, #tpu.memory_space<semaphore_mem>>) src(%arg6 : memref<640x128xf32, #tpu.memory_space<hbm>>) dst(%dma_wait3A_34 : memref<640x128xf32, #tpu.memory_space<vmem_shared>>)
    %barrier3A = arith.constant 0 : index
    tpu.barrier barrier_id(%barrier3A)
    %while3A = arith.constant 0 : i32
    %while3A_35 = arith.constant 0 : i32
    %while3A_36 = arith.subi %select_n3A, %while3A_35 : i32
    %while3A_37 = arith.addi %while3A_35, %while3A_36 : i32
    %while3A_38 = arith.constant 1 : i32
    %while3A_39 = arith.divsi %while3A_36, %while3A_38 : i32
    %while3A_40 = arith.muli %while3A_39, %while3A_38 : i32
    %while3A_41 = arith.addi %while3A_35, %while3A_40 : i32
    %while3A_42 = arith.constant 1 : i32
    scf.for %while3A_100 = %while3A_35 to %while3A_41 step %while3A_42  : i32 {
      %dma_start3A_101 = arith.constant 0 : i32
      %dma_start3A_102 = tpu.memref_slice %arg8[%while3A_100, %dma_start3A_101] : memref<80x128xi32, #tpu.memory_space<vmem>> -> memref<1x128xi32, #tpu.memory_space<vmem>>
      %dma_start3A_103 = tpu.memref_squeeze %dma_start3A_102 : memref<1x128xi32, #tpu.memory_space<vmem>> -> memref<128xi32, #tpu.memory_space<vmem>>
      %dma_start3A_104 = arith.constant 0 : i32
      %dma_start3A_105 = arith.constant 0 : i32
      %dma_start3A_106 = tpu.memref_slice %arg5[%dma_start3A_104, %dma_start3A_105] : memref<20480x128xf32, #tpu.memory_space<hbm>> -> memref<20480x128xf32, #tpu.memory_space<hbm>>
      tpu.enqueue_indirect_dma source(%dma_start3A_106 : memref<20480x128xf32, #tpu.memory_space<hbm>>) target(%arg11 : memref<128x128xf32, #tpu.memory_space<vmem>>) offsets(%dma_start3A_103 : memref<128xi32, #tpu.memory_space<vmem>>) semaphore(%arg13 : memref<!tpu.dma_semaphore, #tpu.memory_space<semaphore_mem>>)
      %dma_wait3A_107 = arith.constant 0 : i32
      %dma_wait3A_108 = tpu.memref_slice %arg8[%while3A_100, %dma_wait3A_107] : memref<80x128xi32, #tpu.memory_space<vmem>> -> memref<1x128xi32, #tpu.memory_space<vmem>>
      %dma_wait3A_109 = tpu.memref_squeeze %dma_wait3A_108 : memref<1x128xi32, #tpu.memory_space<vmem>> -> memref<128xi32, #tpu.memory_space<vmem>>
      %dma_wait3A_110 = arith.constant 0 : i32
      %dma_wait3A_111 = arith.constant 0 : i32
      %dma_wait3A_112 = tpu.memref_slice %arg5[%dma_wait3A_110, %dma_wait3A_111] : memref<20480x128xf32, #tpu.memory_space<hbm>> -> memref<20480x128xf32, #tpu.memory_space<hbm>>
      tpu.wait_indirect_dma semaphore(%arg13 : memref<!tpu.dma_semaphore, #tpu.memory_space<semaphore_mem>>) src(%dma_wait3A_112 : memref<20480x128xf32, #tpu.memory_space<hbm>>) dst(%arg11 : memref<128x128xf32, #tpu.memory_space<vmem>>)
      "tpu.region"() ({
        %run_scoped3A_113 = tpu.sem_alloc : memref<!tpu.dma_semaphore, #tpu.memory_space<semaphore_mem>>
        %dma_start3A_114 = arith.constant 0 : i32
        %dma_start3A_115 = tpu.memref_slice %arg9[%while3A_100, %dma_start3A_114] : memref<80x128xi32, #tpu.memory_space<vmem>> -> memref<1x128xi32, #tpu.memory_space<vmem>>
        %dma_start3A_116 = tpu.memref_squeeze %dma_start3A_115 : memref<1x128xi32, #tpu.memory_space<vmem>> -> memref<128xi32, #tpu.memory_space<vmem>>
        %dma_start3A_117 = arith.constant 0 : i32
        %dma_start3A_118 = arith.constant 0 : i32
        %dma_start3A_119 = tpu.memref_slice %arg12[%dma_start3A_117, %dma_start3A_118] : memref<10240x128xf32, #tpu.memory_space<vmem_shared>> -> memref<10240x128xf32, #tpu.memory_space<vmem_shared>>
        tpu.enqueue_indirect_dma source(%arg11 : memref<128x128xf32, #tpu.memory_space<vmem>>) target(%dma_start3A_119 : memref<10240x128xf32, #tpu.memory_space<vmem_shared>>) offsets(%dma_start3A_116 : memref<128xi32, #tpu.memory_space<vmem>>) semaphore(%run_scoped3A_113 : memref<!tpu.dma_semaphore, #tpu.memory_space<semaphore_mem>>) {add = true}
        %dma_wait3A_120 = arith.constant 0 : i32
        %dma_wait3A_121 = tpu.memref_slice %arg9[%while3A_100, %dma_wait3A_120] : memref<80x128xi32, #tpu.memory_space<vmem>> -> memref<1x128xi32, #tpu.memory_space<vmem>>
        %dma_wait3A_122 = tpu.memref_squeeze %dma_wait3A_121 : memref<1x128xi32, #tpu.memory_space<vmem>> -> memref<128xi32, #tpu.memory_space<vmem>>
        %dma_wait3A_123 = arith.constant 0 : i32
        %dma_wait3A_124 = arith.constant 0 : i32
        %dma_wait3A_125 = tpu.memref_slice %arg12[%dma_wait3A_123, %dma_wait3A_124] : memref<10240x128xf32, #tpu.memory_space<vmem_shared>> -> memref<10240x128xf32, #tpu.memory_space<vmem_shared>>
        tpu.wait_indirect_dma semaphore(%run_scoped3A_113 : memref<!tpu.dma_semaphore, #tpu.memory_space<semaphore_mem>>) src(%arg11 : memref<128x128xf32, #tpu.memory_space<vmem>>) dst(%dma_wait3A_125 : memref<10240x128xf32, #tpu.memory_space<vmem_shared>>)
        tpu.yield
      }) : () -> ()
    }
    %while3A_43 = arith.constant 1 : i32
    scf.for %while3A_100 = %while3A_41 to %while3A_37 step %while3A_43  : i32 {
      %dma_start3A_101 = arith.constant 0 : i32
      %dma_start3A_102 = tpu.memref_slice %arg8[%while3A_100, %dma_start3A_101] : memref<80x128xi32, #tpu.memory_space<vmem>> -> memref<1x128xi32, #tpu.memory_space<vmem>>
      %dma_start3A_103 = tpu.memref_squeeze %dma_start3A_102 : memref<1x128xi32, #tpu.memory_space<vmem>> -> memref<128xi32, #tpu.memory_space<vmem>>
      %dma_start3A_104 = arith.constant 0 : i32
      %dma_start3A_105 = arith.constant 0 : i32
      %dma_start3A_106 = tpu.memref_slice %arg5[%dma_start3A_104, %dma_start3A_105] : memref<20480x128xf32, #tpu.memory_space<hbm>> -> memref<20480x128xf32, #tpu.memory_space<hbm>>
      tpu.enqueue_indirect_dma source(%dma_start3A_106 : memref<20480x128xf32, #tpu.memory_space<hbm>>) target(%arg11 : memref<128x128xf32, #tpu.memory_space<vmem>>) offsets(%dma_start3A_103 : memref<128xi32, #tpu.memory_space<vmem>>) semaphore(%arg13 : memref<!tpu.dma_semaphore, #tpu.memory_space<semaphore_mem>>)
      %dma_wait3A_107 = arith.constant 0 : i32
      %dma_wait3A_108 = tpu.memref_slice %arg8[%while3A_100, %dma_wait3A_107] : memref<80x128xi32, #tpu.memory_space<vmem>> -> memref<1x128xi32, #tpu.memory_space<vmem>>
      %dma_wait3A_109 = tpu.memref_squeeze %dma_wait3A_108 : memref<1x128xi32, #tpu.memory_space<vmem>> -> memref<128xi32, #tpu.memory_space<vmem>>
      %dma_wait3A_110 = arith.constant 0 : i32
      %dma_wait3A_111 = arith.constant 0 : i32
      %dma_wait3A_112 = tpu.memref_slice %arg5[%dma_wait3A_110, %dma_wait3A_111] : memref<20480x128xf32, #tpu.memory_space<hbm>> -> memref<20480x128xf32, #tpu.memory_space<hbm>>
      tpu.wait_indirect_dma semaphore(%arg13 : memref<!tpu.dma_semaphore, #tpu.memory_space<semaphore_mem>>) src(%dma_wait3A_112 : memref<20480x128xf32, #tpu.memory_space<hbm>>) dst(%arg11 : memref<128x128xf32, #tpu.memory_space<vmem>>)
      "tpu.region"() ({
        %run_scoped3A_113 = tpu.sem_alloc : memref<!tpu.dma_semaphore, #tpu.memory_space<semaphore_mem>>
        %dma_start3A_114 = arith.constant 0 : i32
        %dma_start3A_115 = tpu.memref_slice %arg9[%while3A_100, %dma_start3A_114] : memref<80x128xi32, #tpu.memory_space<vmem>> -> memref<1x128xi32, #tpu.memory_space<vmem>>
        %dma_start3A_116 = tpu.memref_squeeze %dma_start3A_115 : memref<1x128xi32, #tpu.memory_space<vmem>> -> memref<128xi32, #tpu.memory_space<vmem>>
        %dma_start3A_117 = arith.constant 0 : i32
        %dma_start3A_118 = arith.constant 0 : i32
        %dma_start3A_119 = tpu.memref_slice %arg12[%dma_start3A_117, %dma_start3A_118] : memref<10240x128xf32, #tpu.memory_space<vmem_shared>> -> memref<10240x128xf32, #tpu.memory_space<vmem_shared>>
        tpu.enqueue_indirect_dma source(%arg11 : memref<128x128xf32, #tpu.memory_space<vmem>>) target(%dma_start3A_119 : memref<10240x128xf32, #tpu.memory_space<vmem_shared>>) offsets(%dma_start3A_116 : memref<128xi32, #tpu.memory_space<vmem>>) semaphore(%run_scoped3A_113 : memref<!tpu.dma_semaphore, #tpu.memory_space<semaphore_mem>>) {add = true}
        %dma_wait3A_120 = arith.constant 0 : i32
        %dma_wait3A_121 = tpu.memref_slice %arg9[%while3A_100, %dma_wait3A_120] : memref<80x128xi32, #tpu.memory_space<vmem>> -> memref<1x128xi32, #tpu.memory_space<vmem>>
        %dma_wait3A_122 = tpu.memref_squeeze %dma_wait3A_121 : memref<1x128xi32, #tpu.memory_space<vmem>> -> memref<128xi32, #tpu.memory_space<vmem>>
        %dma_wait3A_123 = arith.constant 0 : i32
        %dma_wait3A_124 = arith.constant 0 : i32
        %dma_wait3A_125 = tpu.memref_slice %arg12[%dma_wait3A_123, %dma_wait3A_124] : memref<10240x128xf32, #tpu.memory_space<vmem_shared>> -> memref<10240x128xf32, #tpu.memory_space<vmem_shared>>
        tpu.wait_indirect_dma semaphore(%run_scoped3A_113 : memref<!tpu.dma_semaphore, #tpu.memory_space<semaphore_mem>>) src(%arg11 : memref<128x128xf32, #tpu.memory_space<vmem>>) dst(%dma_wait3A_125 : memref<10240x128xf32, #tpu.memory_space<vmem_shared>>)
        tpu.yield
      }) : () -> ()
    }
    %run_scoped3A_44 = arith.constant 1 : i32
    "tpu.region"() ({
      %run_scoped3A_100 = tpu.sem_alloc : memref<!tpu.dma_semaphore, #tpu.memory_space<semaphore_mem>>
      %dma_start3A_101 = arith.constant 0 : i32
      %dma_start3A_102 = tpu.memref_slice %arg4[%run_scoped3A_44, %add3A, %dma_start3A_101] : memref<2x32x16xi32, #tpu.memory_space<hbm>> -> memref<1x1x16xi32, #tpu.memory_space<hbm>>
      %dma_start3A_103 = tpu.memref_squeeze %dma_start3A_102 : memref<1x1x16xi32, #tpu.memory_space<hbm>> -> memref<16xi32, #tpu.memory_space<hbm>>
      %dma_start3A_104 = arith.constant 0 : i32
      %dma_start3A_105 = tpu.memref_slice %arg4[%run_scoped3A_44, %add3A, %dma_start3A_104] : memref<2x32x16xi32, #tpu.memory_space<hbm>> -> memref<1x1x16xi32, #tpu.memory_space<hbm>>
      %dma_start3A_106 = tpu.memref_squeeze %dma_start3A_105 : memref<1x1x16xi32, #tpu.memory_space<hbm>> -> memref<16xi32, #tpu.memory_space<hbm>>
      tpu.enqueue_dma source(%dma_start3A_106 : memref<16xi32, #tpu.memory_space<hbm>>) target(%arg10 : memref<16xi32, #tpu.memory_space<vmem>>) target_semaphore(%run_scoped3A_100 : memref<!tpu.dma_semaphore, #tpu.memory_space<semaphore_mem>>)
      %dma_wait3A_107 = arith.constant 0 : i32
      %dma_wait3A_108 = tpu.memref_slice %arg4[%run_scoped3A_44, %add3A, %dma_wait3A_107] : memref<2x32x16xi32, #tpu.memory_space<hbm>> -> memref<1x1x16xi32, #tpu.memory_space<hbm>>
      %dma_wait3A_109 = tpu.memref_squeeze %dma_wait3A_108 : memref<1x1x16xi32, #tpu.memory_space<hbm>> -> memref<16xi32, #tpu.memory_space<hbm>>
      %dma_wait3A_110 = arith.constant 0 : i32
      %dma_wait3A_111 = tpu.memref_slice %arg4[%run_scoped3A_44, %add3A, %dma_wait3A_110] : memref<2x32x16xi32, #tpu.memory_space<hbm>> -> memref<1x1x16xi32, #tpu.memory_space<hbm>>
      %dma_wait3A_112 = tpu.memref_squeeze %dma_wait3A_111 : memref<1x1x16xi32, #tpu.memory_space<hbm>> -> memref<16xi32, #tpu.memory_space<hbm>>
      tpu.wait_dma2 semaphore(%run_scoped3A_100 : memref<!tpu.dma_semaphore, #tpu.memory_space<semaphore_mem>>) src(%dma_wait3A_112 : memref<16xi32, #tpu.memory_space<hbm>>) dst(%arg10 : memref<16xi32, #tpu.memory_space<vmem>>)
      tpu.yield
    }) : () -> ()
    %get3A_45 = arith.constant 0 : index
    %get3A_46 = tpu.vector_load %arg10[%get3A_45] {strides = array<i32>} : memref<16xi32, #tpu.memory_space<vmem>>, vector<16xi32>,
    %reduce_max3A_47 = arith.constant true
    %reduce_max3A_48 = vector.broadcast %reduce_max3A_47 : i1 to vector<16xi1>
    %reduce_max3A_49 = arith.constant -2147483648 : i32
    %reduce_max3A_50 = vector.broadcast %reduce_max3A_49 : i32 to vector<16xi32>
    %reduce_max3A_51 = arith.xori %get3A_46, %reduce_max3A_50 : vector<16xi32>
    %reduce_max3A_52 = tpu.scan <max>, %reduce_max3A_51 masked %reduce_max3A_48 : vector<16xi32>, vector<16xi1> -> vector<16xi32>
    %reduce_max3A_53 = arith.xori %reduce_max3A_52, %reduce_max3A_50 : vector<16xi32>
    %reduce_max3A_54 = vector.extract %reduce_max3A_53[15] : i32 from vector<16xi32>
    %add3A_55 = arith.constant 128 : i32
    %add3A_56 = arith.addi %reduce_max3A_54, %add3A_55 : i32
    %sub3A_57 = arith.constant 1 : i32
    %sub3A_58 = arith.subi %add3A_56, %sub3A_57 : i32
    %jit3A_59 = arith.constant 128 : i32
    %div3A_60 = arith.divsi %sub3A_58, %jit3A_59 : i32
    %sign3A_61 = arith.constant 0 : i32
    %sign3A_62 = arith.cmpi sgt, %sub3A_58, %sign3A_61 : i32
    %sign3A_63 = arith.extui %sign3A_62 : i1 to i32
    %sign3A_64 = arith.constant 0 : i32
    %sign3A_65 = arith.cmpi slt, %sub3A_58, %sign3A_64 : i32
    %sign3A_66 = arith.extui %sign3A_65 : i1 to i32
    %sign3A_67 = arith.subi %sign3A_63, %sign3A_66 : i32
    %sign3A_68 = arith.constant 0 : i32
    %sign3A_69 = arith.cmpi sgt, %jit3A_59, %sign3A_68 : i32
    %sign3A_70 = arith.extui %sign3A_69 : i1 to i32
    %sign3A_71 = arith.constant 0 : i32
    %sign3A_72 = arith.cmpi slt, %jit3A_59, %sign3A_71 : i32
    %sign3A_73 = arith.extui %sign3A_72 : i1 to i32
    %sign3A_74 = arith.subi %sign3A_70, %sign3A_73 : i32
    %ne3A_75 = arith.cmpi ne, %sign3A_67, %sign3A_74 : i32
    %rem3A_76 = arith.remsi %sub3A_58, %jit3A_59 : i32
    %ne3A_77 = arith.constant 0 : i32
    %ne3A_78 = arith.cmpi ne, %rem3A_76, %ne3A_77 : i32
    %and3A_79 = arith.andi %ne3A_75, %ne3A_78 : i1
    %sub3A_80 = arith.constant 1 : i32
    %sub3A_81 = arith.subi %div3A_60, %sub3A_80 : i32
    %select_n3A_82 = arith.select %and3A_79, %sub3A_81, %div3A_60 : i32
    %run_scoped3A_83 = arith.constant 1 : i32
    "tpu.region"() ({
      %run_scoped3A_100 = tpu.sem_alloc : memref<!tpu.dma_semaphore, #tpu.memory_space<semaphore_mem>>
      %dma_start3A_101 = arith.constant 0 : i32
      %dma_start3A_102 = arith.constant 0 : i32
      %dma_start3A_103 = tpu.memref_slice %arg2[%run_scoped3A_83, %add3A, %dma_start3A_101, %dma_start3A_102] : memref<2x32x80x128xi32, #tpu.memory_space<hbm>> -> memref<1x1x80x128xi32, #tpu.memory_space<hbm>>
      %dma_start3A_104 = tpu.memref_squeeze %dma_start3A_103 : memref<1x1x80x128xi32, #tpu.memory_space<hbm>> -> memref<80x128xi32, #tpu.memory_space<hbm>>
      %dma_start3A_105 = arith.constant 0 : i32
      %dma_start3A_106 = arith.constant 0 : i32
      %dma_start3A_107 = tpu.memref_slice %arg2[%run_scoped3A_83, %add3A, %dma_start3A_105, %dma_start3A_106] : memref<2x32x80x128xi32, #tpu.memory_space<hbm>> -> memref<1x1x80x128xi32, #tpu.memory_space<hbm>>
      %dma_start3A_108 = tpu.memref_squeeze %dma_start3A_107 : memref<1x1x80x128xi32, #tpu.memory_space<hbm>> -> memref<80x128xi32, #tpu.memory_space<hbm>>
      tpu.enqueue_dma source(%dma_start3A_108 : memref<80x128xi32, #tpu.memory_space<hbm>>) target(%arg8 : memref<80x128xi32, #tpu.memory_space<vmem>>) target_semaphore(%run_scoped3A_100 : memref<!tpu.dma_semaphore, #tpu.memory_space<semaphore_mem>>)
      %dma_wait3A_109 = arith.constant 0 : i32
      %dma_wait3A_110 = arith.constant 0 : i32
      %dma_wait3A_111 = tpu.memref_slice %arg2[%run_scoped3A_83, %add3A, %dma_wait3A_109, %dma_wait3A_110] : memref<2x32x80x128xi32, #tpu.memory_space<hbm>> -> memref<1x1x80x128xi32, #tpu.memory_space<hbm>>
      %dma_wait3A_112 = tpu.memref_squeeze %dma_wait3A_111 : memref<1x1x80x128xi32, #tpu.memory_space<hbm>> -> memref<80x128xi32, #tpu.memory_space<hbm>>
      %dma_wait3A_113 = arith.constant 0 : i32
      %dma_wait3A_114 = arith.constant 0 : i32
      %dma_wait3A_115 = tpu.memref_slice %arg2[%run_scoped3A_83, %add3A, %dma_wait3A_113, %dma_wait3A_114] : memref<2x32x80x128xi32, #tpu.memory_space<hbm>> -> memref<1x1x80x128xi32, #tpu.memory_space<hbm>>
      %dma_wait3A_116 = tpu.memref_squeeze %dma_wait3A_115 : memref<1x1x80x128xi32, #tpu.memory_space<hbm>> -> memref<80x128xi32, #tpu.memory_space<hbm>>
      tpu.wait_dma2 semaphore(%run_scoped3A_100 : memref<!tpu.dma_semaphore, #tpu.memory_space<semaphore_mem>>) src(%dma_wait3A_116 : memref<80x128xi32, #tpu.memory_space<hbm>>) dst(%arg8 : memref<80x128xi32, #tpu.memory_space<vmem>>)
      tpu.yield
    }) : () -> ()
    %run_scoped3A_84 = arith.constant 1 : i32
    "tpu.region"() ({
      %run_scoped3A_100 = tpu.sem_alloc : memref<!tpu.dma_semaphore, #tpu.memory_space<semaphore_mem>>
      %dma_start3A_101 = arith.constant 0 : i32
      %dma_start3A_102 = arith.constant 0 : i32
      %dma_start3A_103 = tpu.memref_slice %arg3[%run_scoped3A_84, %add3A, %dma_start3A_101, %dma_start3A_102] : memref<2x32x80x128xi32, #tpu.memory_space<hbm>> -> memref<1x1x80x128xi32, #tpu.memory_space<hbm>>
      %dma_start3A_104 = tpu.memref_squeeze %dma_start3A_103 : memref<1x1x80x128xi32, #tpu.memory_space<hbm>> -> memref<80x128xi32, #tpu.memory_space<hbm>>
      %dma_start3A_105 = arith.constant 0 : i32
      %dma_start3A_106 = arith.constant 0 : i32
      %dma_start3A_107 = tpu.memref_slice %arg3[%run_scoped3A_84, %add3A, %dma_start3A_105, %dma_start3A_106] : memref<2x32x80x128xi32, #tpu.memory_space<hbm>> -> memref<1x1x80x128xi32, #tpu.memory_space<hbm>>
      %dma_start3A_108 = tpu.memref_squeeze %dma_start3A_107 : memref<1x1x80x128xi32, #tpu.memory_space<hbm>> -> memref<80x128xi32, #tpu.memory_space<hbm>>
      tpu.enqueue_dma source(%dma_start3A_108 : memref<80x128xi32, #tpu.memory_space<hbm>>) target(%arg9 : memref<80x128xi32, #tpu.memory_space<vmem>>) target_semaphore(%run_scoped3A_100 : memref<!tpu.dma_semaphore, #tpu.memory_space<semaphore_mem>>)
      %dma_wait3A_109 = arith.constant 0 : i32
      %dma_wait3A_110 = arith.constant 0 : i32
      %dma_wait3A_111 = tpu.memref_slice %arg3[%run_scoped3A_84, %add3A, %dma_wait3A_109, %dma_wait3A_110] : memref<2x32x80x128xi32, #tpu.memory_space<hbm>> -> memref<1x1x80x128xi32, #tpu.memory_space<hbm>>
      %dma_wait3A_112 = tpu.memref_squeeze %dma_wait3A_111 : memref<1x1x80x128xi32, #tpu.memory_space<hbm>> -> memref<80x128xi32, #tpu.memory_space<hbm>>
      %dma_wait3A_113 = arith.constant 0 : i32
      %dma_wait3A_114 = arith.constant 0 : i32
      %dma_wait3A_115 = tpu.memref_slice %arg3[%run_scoped3A_84, %add3A, %dma_wait3A_113, %dma_wait3A_114] : memref<2x32x80x128xi32, #tpu.memory_space<hbm>> -> memref<1x1x80x128xi32, #tpu.memory_space<hbm>>
      %dma_wait3A_116 = tpu.memref_squeeze %dma_wait3A_115 : memref<1x1x80x128xi32, #tpu.memory_space<hbm>> -> memref<80x128xi32, #tpu.memory_space<hbm>>
      tpu.wait_dma2 semaphore(%run_scoped3A_100 : memref<!tpu.dma_semaphore, #tpu.memory_space<semaphore_mem>>) src(%dma_wait3A_116 : memref<80x128xi32, #tpu.memory_space<hbm>>) dst(%arg9 : memref<80x128xi32, #tpu.memory_space<vmem>>)
      tpu.yield
    }) : () -> ()
    %while3A_85 = arith.constant 0 : i32
    %while3A_86 = arith.constant 0 : i32
    %while3A_87 = arith.subi %select_n3A_82, %while3A_86 : i32
    %while3A_88 = arith.addi %while3A_86, %while3A_87 : i32
    %while3A_89 = arith.constant 1 : i32
    %while3A_90 = arith.divsi %while3A_87, %while3A_89 : i32
    %while3A_91 = arith.muli %while3A_90, %while3A_89 : i32
    %while3A_92 = arith.addi %while3A_86, %while3A_91 : i32
    %while3A_93 = arith.constant 1 : i32
    scf.for %while3A_100 = %while3A_86 to %while3A_92 step %while3A_93  : i32 {
      %dma_start3A_101 = arith.constant 0 : i32
      %dma_start3A_102 = tpu.memref_slice %arg8[%while3A_100, %dma_start3A_101] : memref<80x128xi32, #tpu.memory_space<vmem>> -> memref<1x128xi32, #tpu.memory_space<vmem>>
      %dma_start3A_103 = tpu.memref_squeeze %dma_start3A_102 : memref<1x128xi32, #tpu.memory_space<vmem>> -> memref<128xi32, #tpu.memory_space<vmem>>
      %dma_start3A_104 = arith.constant 0 : i32
      %dma_start3A_105 = arith.constant 0 : i32
      %dma_start3A_106 = tpu.memref_slice %arg5[%dma_start3A_104, %dma_start3A_105] : memref<20480x128xf32, #tpu.memory_space<hbm>> -> memref<20480x128xf32, #tpu.memory_space<hbm>>
      tpu.enqueue_indirect_dma source(%dma_start3A_106 : memref<20480x128xf32, #tpu.memory_space<hbm>>) target(%arg11 : memref<128x128xf32, #tpu.memory_space<vmem>>) offsets(%dma_start3A_103 : memref<128xi32, #tpu.memory_space<vmem>>) semaphore(%arg13 : memref<!tpu.dma_semaphore, #tpu.memory_space<semaphore_mem>>)
      %dma_wait3A_107 = arith.constant 0 : i32
      %dma_wait3A_108 = tpu.memref_slice %arg8[%while3A_100, %dma_wait3A_107] : memref<80x128xi32, #tpu.memory_space<vmem>> -> memref<1x128xi32, #tpu.memory_space<vmem>>
      %dma_wait3A_109 = tpu.memref_squeeze %dma_wait3A_108 : memref<1x128xi32, #tpu.memory_space<vmem>> -> memref<128xi32, #tpu.memory_space<vmem>>
      %dma_wait3A_110 = arith.constant 0 : i32
      %dma_wait3A_111 = arith.constant 0 : i32
      %dma_wait3A_112 = tpu.memref_slice %arg5[%dma_wait3A_110, %dma_wait3A_111] : memref<20480x128xf32, #tpu.memory_space<hbm>> -> memref<20480x128xf32, #tpu.memory_space<hbm>>
      tpu.wait_indirect_dma semaphore(%arg13 : memref<!tpu.dma_semaphore, #tpu.memory_space<semaphore_mem>>) src(%dma_wait3A_112 : memref<20480x128xf32, #tpu.memory_space<hbm>>) dst(%arg11 : memref<128x128xf32, #tpu.memory_space<vmem>>)
      "tpu.region"() ({
        %run_scoped3A_113 = tpu.sem_alloc : memref<!tpu.dma_semaphore, #tpu.memory_space<semaphore_mem>>
        %dma_start3A_114 = arith.constant 0 : i32
        %dma_start3A_115 = tpu.memref_slice %arg9[%while3A_100, %dma_start3A_114] : memref<80x128xi32, #tpu.memory_space<vmem>> -> memref<1x128xi32, #tpu.memory_space<vmem>>
        %dma_start3A_116 = tpu.memref_squeeze %dma_start3A_115 : memref<1x128xi32, #tpu.memory_space<vmem>> -> memref<128xi32, #tpu.memory_space<vmem>>
        %dma_start3A_117 = arith.constant 0 : i32
        %dma_start3A_118 = arith.constant 0 : i32
        %dma_start3A_119 = tpu.memref_slice %arg12[%dma_start3A_117, %dma_start3A_118] : memref<10240x128xf32, #tpu.memory_space<vmem_shared>> -> memref<10240x128xf32, #tpu.memory_space<vmem_shared>>
        tpu.enqueue_indirect_dma source(%arg11 : memref<128x128xf32, #tpu.memory_space<vmem>>) target(%dma_start3A_119 : memref<10240x128xf32, #tpu.memory_space<vmem_shared>>) offsets(%dma_start3A_116 : memref<128xi32, #tpu.memory_space<vmem>>) semaphore(%run_scoped3A_113 : memref<!tpu.dma_semaphore, #tpu.memory_space<semaphore_mem>>) {add = true}
        %dma_wait3A_120 = arith.constant 0 : i32
        %dma_wait3A_121 = tpu.memref_slice %arg9[%while3A_100, %dma_wait3A_120] : memref<80x128xi32, #tpu.memory_space<vmem>> -> memref<1x128xi32, #tpu.memory_space<vmem>>
        %dma_wait3A_122 = tpu.memref_squeeze %dma_wait3A_121 : memref<1x128xi32, #tpu.memory_space<vmem>> -> memref<128xi32, #tpu.memory_space<vmem>>
        %dma_wait3A_123 = arith.constant 0 : i32
        %dma_wait3A_124 = arith.constant 0 : i32
        %dma_wait3A_125 = tpu.memref_slice %arg12[%dma_wait3A_123, %dma_wait3A_124] : memref<10240x128xf32, #tpu.memory_space<vmem_shared>> -> memref<10240x128xf32, #tpu.memory_space<vmem_shared>>
        tpu.wait_indirect_dma semaphore(%run_scoped3A_113 : memref<!tpu.dma_semaphore, #tpu.memory_space<semaphore_mem>>) src(%arg11 : memref<128x128xf32, #tpu.memory_space<vmem>>) dst(%dma_wait3A_125 : memref<10240x128xf32, #tpu.memory_space<vmem_shared>>)
        tpu.yield
      }) : () -> ()
    }
    %while3A_94 = arith.constant 1 : i32
    scf.for %while3A_100 = %while3A_92 to %while3A_88 step %while3A_94  : i32 {
      %dma_start3A_101 = arith.constant 0 : i32
      %dma_start3A_102 = tpu.memref_slice %arg8[%while3A_100, %dma_start3A_101] : memref<80x128xi32, #tpu.memory_space<vmem>> -> memref<1x128xi32, #tpu.memory_space<vmem>>
      %dma_start3A_103 = tpu.memref_squeeze %dma_start3A_102 : memref<1x128xi32, #tpu.memory_space<vmem>> -> memref<128xi32, #tpu.memory_space<vmem>>
      %dma_start3A_104 = arith.constant 0 : i32
      %dma_start3A_105 = arith.constant 0 : i32
      %dma_start3A_106 = tpu.memref_slice %arg5[%dma_start3A_104, %dma_start3A_105] : memref<20480x128xf32, #tpu.memory_space<hbm>> -> memref<20480x128xf32, #tpu.memory_space<hbm>>
      tpu.enqueue_indirect_dma source(%dma_start3A_106 : memref<20480x128xf32, #tpu.memory_space<hbm>>) target(%arg11 : memref<128x128xf32, #tpu.memory_space<vmem>>) offsets(%dma_start3A_103 : memref<128xi32, #tpu.memory_space<vmem>>) semaphore(%arg13 : memref<!tpu.dma_semaphore, #tpu.memory_space<semaphore_mem>>)
      %dma_wait3A_107 = arith.constant 0 : i32
      %dma_wait3A_108 = tpu.memref_slice %arg8[%while3A_100, %dma_wait3A_107] : memref<80x128xi32, #tpu.memory_space<vmem>> -> memref<1x128xi32, #tpu.memory_space<vmem>>
      %dma_wait3A_109 = tpu.memref_squeeze %dma_wait3A_108 : memref<1x128xi32, #tpu.memory_space<vmem>> -> memref<128xi32, #tpu.memory_space<vmem>>
      %dma_wait3A_110 = arith.constant 0 : i32
      %dma_wait3A_111 = arith.constant 0 : i32
      %dma_wait3A_112 = tpu.memref_slice %arg5[%dma_wait3A_110, %dma_wait3A_111] : memref<20480x128xf32, #tpu.memory_space<hbm>> -> memref<20480x128xf32, #tpu.memory_space<hbm>>
      tpu.wait_indirect_dma semaphore(%arg13 : memref<!tpu.dma_semaphore, #tpu.memory_space<semaphore_mem>>) src(%dma_wait3A_112 : memref<20480x128xf32, #tpu.memory_space<hbm>>) dst(%arg11 : memref<128x128xf32, #tpu.memory_space<vmem>>)
      "tpu.region"() ({
        %run_scoped3A_113 = tpu.sem_alloc : memref<!tpu.dma_semaphore, #tpu.memory_space<semaphore_mem>>
        %dma_start3A_114 = arith.constant 0 : i32
        %dma_start3A_115 = tpu.memref_slice %arg9[%while3A_100, %dma_start3A_114] : memref<80x128xi32, #tpu.memory_space<vmem>> -> memref<1x128xi32, #tpu.memory_space<vmem>>
        %dma_start3A_116 = tpu.memref_squeeze %dma_start3A_115 : memref<1x128xi32, #tpu.memory_space<vmem>> -> memref<128xi32, #tpu.memory_space<vmem>>
        %dma_start3A_117 = arith.constant 0 : i32
        %dma_start3A_118 = arith.constant 0 : i32
        %dma_start3A_119 = tpu.memref_slice %arg12[%dma_start3A_117, %dma_start3A_118] : memref<10240x128xf32, #tpu.memory_space<vmem_shared>> -> memref<10240x128xf32, #tpu.memory_space<vmem_shared>>
        tpu.enqueue_indirect_dma source(%arg11 : memref<128x128xf32, #tpu.memory_space<vmem>>) target(%dma_start3A_119 : memref<10240x128xf32, #tpu.memory_space<vmem_shared>>) offsets(%dma_start3A_116 : memref<128xi32, #tpu.memory_space<vmem>>) semaphore(%run_scoped3A_113 : memref<!tpu.dma_semaphore, #tpu.memory_space<semaphore_mem>>) {add = true}
        %dma_wait3A_120 = arith.constant 0 : i32
        %dma_wait3A_121 = tpu.memref_slice %arg9[%while3A_100, %dma_wait3A_120] : memref<80x128xi32, #tpu.memory_space<vmem>> -> memref<1x128xi32, #tpu.memory_space<vmem>>
        %dma_wait3A_122 = tpu.memref_squeeze %dma_wait3A_121 : memref<1x128xi32, #tpu.memory_space<vmem>> -> memref<128xi32, #tpu.memory_space<vmem>>
        %dma_wait3A_123 = arith.constant 0 : i32
        %dma_wait3A_124 = arith.constant 0 : i32
        %dma_wait3A_125 = tpu.memref_slice %arg12[%dma_wait3A_123, %dma_wait3A_124] : memref<10240x128xf32, #tpu.memory_space<vmem_shared>> -> memref<10240x128xf32, #tpu.memory_space<vmem_shared>>
        tpu.wait_indirect_dma semaphore(%run_scoped3A_113 : memref<!tpu.dma_semaphore, #tpu.memory_space<semaphore_mem>>) src(%arg11 : memref<128x128xf32, #tpu.memory_space<vmem>>) dst(%dma_wait3A_125 : memref<10240x128xf32, #tpu.memory_space<vmem_shared>>)
        tpu.yield
      }) : () -> ()
    }
    %barrier3A_95 = arith.constant 0 : index
    tpu.barrier barrier_id(%barrier3A_95)
    %mul3A_96 = arith.constant 640 : i32
    %mul3A_97 = arith.muli %arg1, %mul3A_96 : i32
    %mul3A_98 = arith.constant 640 : i32
    %mul3A_99 = arith.muli %arg1, %mul3A_98 : i32
    "tpu.region"() ({
      %run_scoped3A_100 = tpu.sem_alloc : memref<!tpu.dma_semaphore, #tpu.memory_space<semaphore_mem>>
      %dma_start3A_101 = arith.constant 0 : i32
      %dma_start3A_102 = tpu.memref_slice %arg7[%arg0, %mul3A_99, %dma_start3A_101] : memref<2x10240x128xf32, #tpu.memory_space<hbm>> -> memref<1x640x128xf32, #tpu.memory_space<hbm>>
      %dma_start3A_103 = tpu.memref_squeeze %dma_start3A_102 : memref<1x640x128xf32, #tpu.memory_space<hbm>> -> memref<640x128xf32, #tpu.memory_space<hbm>>
      %dma_start3A_104 = arith.constant 0 : i32
      %dma_start3A_105 = tpu.memref_slice %arg12[%mul3A_97, %dma_start3A_104] : memref<10240x128xf32, #tpu.memory_space<vmem_shared>> -> memref<640x128xf32, #tpu.memory_space<vmem_shared>>
      tpu.enqueue_dma source(%dma_start3A_105 : memref<640x128xf32, #tpu.memory_space<vmem_shared>>) target(%dma_start3A_103 : memref<640x128xf32, #tpu.memory_space<hbm>>) target_semaphore(%run_scoped3A_100 : memref<!tpu.dma_semaphore, #tpu.memory_space<semaphore_mem>>)
      %dma_wait3A_106 = arith.constant 0 : i32
      %dma_wait3A_107 = tpu.memref_slice %arg7[%arg0, %mul3A_99, %dma_wait3A_106] : memref<2x10240x128xf32, #tpu.memory_space<hbm>> -> memref<1x640x128xf32, #tpu.memory_space<hbm>>
      %dma_wait3A_108 = tpu.memref_squeeze %dma_wait3A_107 : memref<1x640x128xf32, #tpu.memory_space<hbm>> -> memref<640x128xf32, #tpu.memory_space<hbm>>
      %dma_wait3A_109 = arith.constant 0 : i32
      %dma_wait3A_110 = tpu.memref_slice %arg12[%mul3A_97, %dma_wait3A_109] : memref<10240x128xf32, #tpu.memory_space<vmem_shared>> -> memref<640x128xf32, #tpu.memory_space<vmem_shared>>
      tpu.wait_dma2 semaphore(%run_scoped3A_100 : memref<!tpu.dma_semaphore, #tpu.memory_space<semaphore_mem>>) src(%dma_wait3A_110 : memref<640x128xf32, #tpu.memory_space<vmem_shared>>) dst(%dma_wait3A_108 : memref<640x128xf32, #tpu.memory_space<hbm>>)
      tpu.yield
    }) : () -> ()
    return
  }
}

module attributes {stable_mosaic.version = 14 : i64} {
  func.func @body(%arg0: i32, %arg1: memref<1024x128xf32, #tpu.memory_space<vmem>>, %arg2: memref<128x128xf32, #tpu.memory_space<vmem>>, %arg3: memref<1x128xf32, #tpu.memory_space<vmem>>, %arg4: memref<1024x128xf32, #tpu.memory_space<vmem>>) attributes {dimension_semantics = [#tpu.dimension_semantics<arbitrary>], iteration_bounds = array<i64: 10>, scalar_prefetch = 0 : i64, scratch_operands = 0 : i64, tpu.core_type = #tpu.core_type<tc>, window_params = [{transform_indices = @transform_0, window_bounds = array<i64: 1024, 128>}, {pipeline_mode = #tpu.pipeline_mode<synchronous>, transform_indices = @transform_1, window_bounds = array<i64: 128, 128>}, {pipeline_mode = #tpu.pipeline_mode<synchronous>, transform_indices = @transform_2, window_bounds = array<i64: 1, 128>}, {transform_indices = @transform_3, window_bounds = array<i64: 1024, 128>}]} {
    %get3A = arith.constant 0 : index
    %get3A_0 = arith.constant 0 : index
    %get3A_1 = vector.load %arg1[%get3A, %get3A_0] : memref<1024x128xf32, #tpu.memory_space<vmem>>, vector<1024x128xf32>
    %get3A_2 = arith.constant 0 : index
    %get3A_3 = arith.constant 0 : index
    %get3A_4 = vector.load %arg2[%get3A_2, %get3A_3] : memref<128x128xf32, #tpu.memory_space<vmem>>, vector<128x128xf32>
    %dot_general3A = arith.constant dense<0.000000e+00> : vector<1024x128xf32>
    %dot_general3A_5 = tpu.matmul %get3A_1, %get3A_4, %dot_general3A {dimension_numbers = #tpu.dot_dimension_numbers<[1], [0], [0], [1], [0, 0, 1, 1], [], []>, transpose_lhs_hint = false} : vector<1024x128xf32>, vector<128x128xf32>, vector<1024x128xf32> -> vector<1024x128xf32>
    %get3A_6 = arith.constant 0 : index
    %get3A_7 = arith.constant 0 : index
    %get3A_8 = vector.load %arg3[%get3A_6, %get3A_7] : memref<1x128xf32, #tpu.memory_space<vmem>>, vector<1x128xf32>
    %add3A = vector.broadcast %get3A_8 : vector<1x128xf32> to vector<1024x128xf32>
    %add3A_9 = arith.addf %dot_general3A_5, %add3A : vector<1024x128xf32>
    %swap3A = arith.constant 0 : index
    %swap3A_10 = arith.constant 0 : index
    %swap3A_11 = vector.load %arg4[%swap3A, %swap3A_10] : memref<1024x128xf32, #tpu.memory_space<vmem>>, vector<1024x128xf32>
    tpu.vector_store %arg4[%swap3A, %swap3A_10], %add3A_9 {strides = array<i32>} : memref<1024x128xf32, #tpu.memory_space<vmem>>, vector<1024x128xf32>,
    return
  }
  func.func @transform_0(%arg0: i32) -> (i32, i32) {
    %c0_i32 = arith.constant 0 : i32
    %c0_i32_0 = arith.constant 0 : i32
    return %arg0, %c0_i32 : i32, i32
  }
  func.func @transform_1(%arg0: i32) -> (i32, i32) {
    %c0_i32 = arith.constant 0 : i32
    %c0_i32_0 = arith.constant 0 : i32
    %c0_i32_1 = arith.constant 0 : i32
    return %c0_i32, %c0_i32_0 : i32, i32
  }
  func.func @transform_2(%arg0: i32) -> (i32, i32) {
    %c0_i32 = arith.constant 0 : i32
    %c0_i32_0 = arith.constant 0 : i32
    %c0_i32_1 = arith.constant 0 : i32
    return %c0_i32, %c0_i32_0 : i32, i32
  }
  func.func @transform_3(%arg0: i32) -> (i32, i32) {
    %c0_i32 = arith.constant 0 : i32
    %c0_i32_0 = arith.constant 0 : i32
    return %arg0, %c0_i32 : i32, i32
  }
}

module attributes {stable_mosaic.version = 14 : i64} {
  func.func @body(%arg0: i32, %arg1: memref<1024x128xf32, #tpu.memory_space<vmem>>, %arg2: memref<2x1024x128xf32, #tpu.memory_space<vmem>>, %arg3: memref<128x128xf32, #tpu.memory_space<vmem>>, %arg4: memref<1x128xf32, #tpu.memory_space<vmem>>, %arg5: memref<128x128xf32, #tpu.memory_space<vmem>>, %arg6: memref<1x128xf32, #tpu.memory_space<vmem>>, %arg7: memref<1024x128xf32, #tpu.memory_space<vmem>>, %arg8: memref<1024x128xf32, #tpu.memory_space<vmem>>, %arg9: memref<1024x128xf32, #tpu.memory_space<vmem>>) attributes {dimension_semantics = [#tpu.dimension_semantics<arbitrary>], iteration_bounds = array<i64: 10>, scalar_prefetch = 0 : i64, scratch_operands = 0 : i64, tpu.core_type = #tpu.core_type<tc>, window_params = [{transform_indices = @transform_0, window_bounds = array<i64: 1024, 128>}, {transform_indices = @transform_1, window_bounds = array<i64: 2, 1024, 128>}, {pipeline_mode = #tpu.pipeline_mode<synchronous>, transform_indices = @transform_2, window_bounds = array<i64: 128, 128>}, {pipeline_mode = #tpu.pipeline_mode<synchronous>, transform_indices = @transform_3, window_bounds = array<i64: 1, 128>}, {pipeline_mode = #tpu.pipeline_mode<synchronous>, transform_indices = @transform_4, window_bounds = array<i64: 128, 128>}, {pipeline_mode = #tpu.pipeline_mode<synchronous>, transform_indices = @transform_5, window_bounds = array<i64: 1, 128>}, {transform_indices = @transform_6, window_bounds = array<i64: 1024, 128>}, {transform_indices = @transform_7, window_bounds = array<i64: 1024, 128>}, {transform_indices = @transform_8, window_bounds = array<i64: 1024, 128>}]} {
    %get3A = arith.constant 0 : index
    %get3A_0 = arith.constant 0 : index
    %get3A_1 = arith.constant 0 : index
    %get3A_2 = vector.load %arg2[%get3A, %get3A_0, %get3A_1] : memref<2x1024x128xf32, #tpu.memory_space<vmem>>, vector<1x1024x128xf32>
    %get3A_3 = vector.shape_cast %get3A_2 : vector<1x1024x128xf32> to vector<1024x128xf32>
    %get3A_4 = arith.constant 1 : index
    %get3A_5 = arith.constant 0 : index
    %get3A_6 = arith.constant 0 : index
    %get3A_7 = vector.load %arg2[%get3A_4, %get3A_5, %get3A_6] : memref<2x1024x128xf32, #tpu.memory_space<vmem>>, vector<1x1024x128xf32>
    %get3A_8 = vector.shape_cast %get3A_7 : vector<1x1024x128xf32> to vector<1024x128xf32>
    %add3A = arith.addf %get3A_3, %get3A_8 : vector<1024x128xf32>
    %get3A_9 = arith.constant 0 : index
    %get3A_10 = arith.constant 0 : index
    %get3A_11 = vector.load %arg1[%get3A_9, %get3A_10] : memref<1024x128xf32, #tpu.memory_space<vmem>>, vector<1024x128xf32>
    %max3A = arith.constant 0.000000e+00 : f32
    %max3A_12 = vector.broadcast %max3A : f32 to vector<1024x128xf32>
    %max3A_13 = arith.maximumf %add3A, %max3A_12 : vector<1024x128xf32>
    %add3A_14 = arith.addf %get3A_11, %max3A_13 : vector<1024x128xf32>
    %mul3A = arith.mulf %add3A_14, %add3A_14 : vector<1024x128xf32>
    %reduce_sum3A = arith.constant dense<0.000000e+00> : vector<1024xf32>
    %reduce_sum3A_15 = vector.multi_reduction <add>, %mul3A, %reduce_sum3A [1] : vector<1024x128xf32> to vector<1024xf32>
    %broadcast_in_dim3A = vector.shape_cast %reduce_sum3A_15 : vector<1024xf32> to vector<1024x1xf32>
    %sqrt3A = math.sqrt %broadcast_in_dim3A : vector<1024x1xf32>
    %max3A_16 = arith.constant 9.99999996E-13 : f32
    %max3A_17 = vector.broadcast %max3A_16 : f32 to vector<1024x1xf32>
    %max3A_18 = arith.maximumf %sqrt3A, %max3A_17 : vector<1024x1xf32>
    %div3A = vector.broadcast %max3A_18 : vector<1024x1xf32> to vector<1024x128xf32>
    %div3A_19 = arith.divf %add3A_14, %div3A : vector<1024x128xf32>
    %swap3A = arith.constant 0 : index
    %swap3A_20 = arith.constant 0 : index
    %swap3A_21 = vector.load %arg7[%swap3A, %swap3A_20] : memref<1024x128xf32, #tpu.memory_space<vmem>>, vector<1024x128xf32>
    tpu.vector_store %arg7[%swap3A, %swap3A_20], %div3A_19 {strides = array<i32>} : memref<1024x128xf32, #tpu.memory_space<vmem>>, vector<1024x128xf32>,
    %get3A_22 = arith.constant 0 : index
    %get3A_23 = arith.constant 0 : index
    %get3A_24 = vector.load %arg3[%get3A_22, %get3A_23] : memref<128x128xf32, #tpu.memory_space<vmem>>, vector<128x128xf32>
    %dot_general3A = arith.constant dense<0.000000e+00> : vector<1024x128xf32>
    %dot_general3A_25 = tpu.matmul %div3A_19, %get3A_24, %dot_general3A {dimension_numbers = #tpu.dot_dimension_numbers<[1], [0], [0], [1], [0, 0, 1, 1], [], []>, transpose_lhs_hint = false} : vector<1024x128xf32>, vector<128x128xf32>, vector<1024x128xf32> -> vector<1024x128xf32>
    %get3A_26 = arith.constant 0 : index
    %get3A_27 = arith.constant 0 : index
    %get3A_28 = vector.load %arg4[%get3A_26, %get3A_27] : memref<1x128xf32, #tpu.memory_space<vmem>>, vector<1x128xf32>
    %add3A_29 = vector.broadcast %get3A_28 : vector<1x128xf32> to vector<1024x128xf32>
    %add3A_30 = arith.addf %dot_general3A_25, %add3A_29 : vector<1024x128xf32>
    %swap3A_31 = arith.constant 0 : index
    %swap3A_32 = arith.constant 0 : index
    %swap3A_33 = vector.load %arg8[%swap3A_31, %swap3A_32] : memref<1024x128xf32, #tpu.memory_space<vmem>>, vector<1024x128xf32>
    tpu.vector_store %arg8[%swap3A_31, %swap3A_32], %add3A_30 {strides = array<i32>} : memref<1024x128xf32, #tpu.memory_space<vmem>>, vector<1024x128xf32>,
    %get3A_34 = arith.constant 0 : index
    %get3A_35 = arith.constant 0 : index
    %get3A_36 = vector.load %arg5[%get3A_34, %get3A_35] : memref<128x128xf32, #tpu.memory_space<vmem>>, vector<128x128xf32>
    %dot_general3A_37 = arith.constant dense<0.000000e+00> : vector<1024x128xf32>
    %dot_general3A_38 = tpu.matmul %div3A_19, %get3A_36, %dot_general3A_37 {dimension_numbers = #tpu.dot_dimension_numbers<[1], [0], [0], [1], [0, 0, 1, 1], [], []>, transpose_lhs_hint = false} : vector<1024x128xf32>, vector<128x128xf32>, vector<1024x128xf32> -> vector<1024x128xf32>
    %get3A_39 = arith.constant 0 : index
    %get3A_40 = arith.constant 0 : index
    %get3A_41 = vector.load %arg6[%get3A_39, %get3A_40] : memref<1x128xf32, #tpu.memory_space<vmem>>, vector<1x128xf32>
    %add3A_42 = vector.broadcast %get3A_41 : vector<1x128xf32> to vector<1024x128xf32>
    %add3A_43 = arith.addf %dot_general3A_38, %add3A_42 : vector<1024x128xf32>
    %swap3A_44 = arith.constant 0 : index
    %swap3A_45 = arith.constant 0 : index
    %swap3A_46 = vector.load %arg9[%swap3A_44, %swap3A_45] : memref<1024x128xf32, #tpu.memory_space<vmem>>, vector<1024x128xf32>
    tpu.vector_store %arg9[%swap3A_44, %swap3A_45], %add3A_43 {strides = array<i32>} : memref<1024x128xf32, #tpu.memory_space<vmem>>, vector<1024x128xf32>,
    return
  }
  func.func @transform_0(%arg0: i32) -> (i32, i32) {
    %c0_i32 = arith.constant 0 : i32
    %c0_i32_0 = arith.constant 0 : i32
    return %arg0, %c0_i32 : i32, i32
  }
  func.func @transform_1(%arg0: i32) -> (i32, i32, i32) {
    %c0_i32 = arith.constant 0 : i32
    %c0_i32_0 = arith.constant 0 : i32
    %c0_i32_1 = arith.constant 0 : i32
    return %c0_i32, %arg0, %c0_i32_0 : i32, i32, i32
  }
  func.func @transform_2(%arg0: i32) -> (i32, i32) {
    %c0_i32 = arith.constant 0 : i32
    %c0_i32_0 = arith.constant 0 : i32
    %c0_i32_1 = arith.constant 0 : i32
    return %c0_i32, %c0_i32_0 : i32, i32
  }
  func.func @transform_3(%arg0: i32) -> (i32, i32) {
    %c0_i32 = arith.constant 0 : i32
    %c0_i32_0 = arith.constant 0 : i32
    %c0_i32_1 = arith.constant 0 : i32
    return %c0_i32, %c0_i32_0 : i32, i32
  }
  func.func @transform_4(%arg0: i32) -> (i32, i32) {
    %c0_i32 = arith.constant 0 : i32
    %c0_i32_0 = arith.constant 0 : i32
    %c0_i32_1 = arith.constant 0 : i32
    return %c0_i32, %c0_i32_0 : i32, i32
  }
  func.func @transform_5(%arg0: i32) -> (i32, i32) {
    %c0_i32 = arith.constant 0 : i32
    %c0_i32_0 = arith.constant 0 : i32
    %c0_i32_1 = arith.constant 0 : i32
    return %c0_i32, %c0_i32_0 : i32, i32
  }
  func.func @transform_6(%arg0: i32) -> (i32, i32) {
    %c0_i32 = arith.constant 0 : i32
    %c0_i32_0 = arith.constant 0 : i32
    return %arg0, %c0_i32 : i32, i32
  }
  func.func @transform_7(%arg0: i32) -> (i32, i32) {
    %c0_i32 = arith.constant 0 : i32
    %c0_i32_0 = arith.constant 0 : i32
    return %arg0, %c0_i32 : i32, i32
  }
  func.func @transform_8(%arg0: i32) -> (i32, i32) {
    %c0_i32 = arith.constant 0 : i32
    %c0_i32_0 = arith.constant 0 : i32
    return %arg0, %c0_i32 : i32, i32
  }
}

module attributes {stable_mosaic.version = 14 : i64} {
  func.func @body(%arg0: i32, %arg1: memref<1024x128xf32, #tpu.memory_space<vmem>>, %arg2: memref<2x1024x128xf32, #tpu.memory_space<vmem>>, %arg3: memref<1024x128xf32, #tpu.memory_space<vmem>>) attributes {dimension_semantics = [#tpu.dimension_semantics<arbitrary>], iteration_bounds = array<i64: 10>, scalar_prefetch = 0 : i64, scratch_operands = 0 : i64, tpu.core_type = #tpu.core_type<tc>, window_params = [{transform_indices = @transform_0, window_bounds = array<i64: 1024, 128>}, {transform_indices = @transform_1, window_bounds = array<i64: 2, 1024, 128>}, {transform_indices = @transform_2, window_bounds = array<i64: 1024, 128>}]} {
    %get3A = arith.constant 0 : index
    %get3A_0 = arith.constant 0 : index
    %get3A_1 = arith.constant 0 : index
    %get3A_2 = vector.load %arg2[%get3A, %get3A_0, %get3A_1] : memref<2x1024x128xf32, #tpu.memory_space<vmem>>, vector<1x1024x128xf32>
    %get3A_3 = vector.shape_cast %get3A_2 : vector<1x1024x128xf32> to vector<1024x128xf32>
    %get3A_4 = arith.constant 1 : index
    %get3A_5 = arith.constant 0 : index
    %get3A_6 = arith.constant 0 : index
    %get3A_7 = vector.load %arg2[%get3A_4, %get3A_5, %get3A_6] : memref<2x1024x128xf32, #tpu.memory_space<vmem>>, vector<1x1024x128xf32>
    %get3A_8 = vector.shape_cast %get3A_7 : vector<1x1024x128xf32> to vector<1024x128xf32>
    %add3A = arith.addf %get3A_3, %get3A_8 : vector<1024x128xf32>
    %get3A_9 = arith.constant 0 : index
    %get3A_10 = arith.constant 0 : index
    %get3A_11 = vector.load %arg1[%get3A_9, %get3A_10] : memref<1024x128xf32, #tpu.memory_space<vmem>>, vector<1024x128xf32>
    %max3A = arith.constant 0.000000e+00 : f32
    %max3A_12 = vector.broadcast %max3A : f32 to vector<1024x128xf32>
    %max3A_13 = arith.maximumf %add3A, %max3A_12 : vector<1024x128xf32>
    %add3A_14 = arith.addf %get3A_11, %max3A_13 : vector<1024x128xf32>
    %mul3A = arith.mulf %add3A_14, %add3A_14 : vector<1024x128xf32>
    %reduce_sum3A = arith.constant dense<0.000000e+00> : vector<1024xf32>
    %reduce_sum3A_15 = vector.multi_reduction <add>, %mul3A, %reduce_sum3A [1] : vector<1024x128xf32> to vector<1024xf32>
    %broadcast_in_dim3A = vector.shape_cast %reduce_sum3A_15 : vector<1024xf32> to vector<1024x1xf32>
    %sqrt3A = math.sqrt %broadcast_in_dim3A : vector<1024x1xf32>
    %max3A_16 = arith.constant 9.99999996E-13 : f32
    %max3A_17 = vector.broadcast %max3A_16 : f32 to vector<1024x1xf32>
    %max3A_18 = arith.maximumf %sqrt3A, %max3A_17 : vector<1024x1xf32>
    %div3A = vector.broadcast %max3A_18 : vector<1024x1xf32> to vector<1024x128xf32>
    %div3A_19 = arith.divf %add3A_14, %div3A : vector<1024x128xf32>
    %swap3A = arith.constant 0 : index
    %swap3A_20 = arith.constant 0 : index
    %swap3A_21 = vector.load %arg3[%swap3A, %swap3A_20] : memref<1024x128xf32, #tpu.memory_space<vmem>>, vector<1024x128xf32>
    tpu.vector_store %arg3[%swap3A, %swap3A_20], %div3A_19 {strides = array<i32>} : memref<1024x128xf32, #tpu.memory_space<vmem>>, vector<1024x128xf32>,
    return
  }
  func.func @transform_0(%arg0: i32) -> (i32, i32) {
    %c0_i32 = arith.constant 0 : i32
    %c0_i32_0 = arith.constant 0 : i32
    return %arg0, %c0_i32 : i32, i32
  }
  func.func @transform_1(%arg0: i32) -> (i32, i32, i32) {
    %c0_i32 = arith.constant 0 : i32
    %c0_i32_0 = arith.constant 0 : i32
    %c0_i32_1 = arith.constant 0 : i32
    return %c0_i32, %arg0, %c0_i32_0 : i32, i32, i32
  }
  func.func @transform_2(%arg0: i32) -> (i32, i32) {
    %c0_i32 = arith.constant 0 : i32
    %c0_i32_0 = arith.constant 0 : i32
    return %arg0, %c0_i32 : i32, i32
  }
}

</mosaic_0001>

<sc_bundles>
// kernel: kernel.11.cloned.1.call-start
scs
__scs_entry_jumppad:
0x0: {  	(pc) =	sbr.rel $0x88, $3  }
0x1: {  	(tag) =	ssettag $0x0;
	lr =	simm.s32 $0x1  }
0x2: {  	[smem:$0x3F98] =	sst lr;
	_ =	strace $0xD0000000  }
0x3: {  	_ = 	snop  }
0x4: {  	_ = 	snop  }
0x5: {  	_ = 	snop  }
0x6: {  	_ = 	snop  }
0x7: {  	_ = 	snop  }
__scs_overlays_trampoline_lowered:
0x8: {  	[smem:$0x3FA7] =	sst s0  }
0x9: {  	[smem:$0x3FA8] =	sst s1  }
0xa: {  	[smem:$0x3FA9] =	sst s2  }
0xb: {  	[smem:$0x3FAA] =	sst s3  }
0xc: {  	[smem:$0x3FAB] =	sst s4  }
0xd: {  	[smem:$0x3FAC] =	sst s5  }
0xe: {  	[smem:$0x3FAD] =	sst s6  }
0xf: {  	[smem:$0x3FAE] =	sst s7  }
0x10: {  	[smem:$0x3FAF] =	sst s8  }
0x11: {  	[smem:$0x3FB0] =	sst s9;
	s0 =	simm.s32 @!p0 $0x0  }
0x12: {  	s1 =	sld [smem:$0x3F96];
	s0 =	simm.s32 @p0 $0x1  }
0x13: {  	[smem:$0x3FB1] =	sst s0;
	s0 =	simm.s32 @!p1 $0x0  }
0x14: {  	s2 =	sld [smem:$0x3F95];
	s0 =	simm.s32 @p1 $0x1  }
0x15: {  	[smem:$0x3FB2] =	sst s0;
	s0 =	simm.s32 @!p2 $0x0  }
0x16: {  	s3 =	sld [smem:$0x3FDB];
	s0 =	simm.s32 @p2 $0x1  }
0x17: {  	s4 =	simm.s32 $0x1BF5;
	[smem:$0x3FB4] =	sst s0  }
0x18: {  	s0 =	sld [smem:$0x3F97];
	_ =	swait.ge [sflag:s4], $0x0  }
0x19: {  	s7 =	sld [smem:$0x3F98]  }
0x1a: {  	s8 =	sadd.s32 $0xFFFFE003, lr  }
0x1b: {  	s9 =	sadd.s32 $0xFFFFFEF7, lr;
	s5 =	simm.s32 $0xFFFFFFFF;
	p2 =	slt.u32 s8, $0xFFFFF086  }
0x1c: {  	p1 =	slt.u32 s9, $0xF7A;
	s5 =	simm.s32 @!p2 $0x0  }
0x1d: {  	s5 =	simm.s32 @p1 $0x1;
	p0 =	seq.s32 s7, s2  }
0x1e: {  	s7 =	smul.u32 @!p0 $0xF7A, s2;
	p2 =	seq.s32 @!p0 s5, $0x0  }
0x1f: {  	s9 =	smul.u32 $0xF7A, s1;
	s8 =	simm.s32 @!p0 $0x1BF5;
	p2 =	por !p2, p0  }
0x20: {  	[sflag:s8] =	ssyncset.s32 @!p0 $0xFFFFF086;
	s6 =	sadd.s32 @!p0 s3, s7;
	s7 =	simm.s32 @!p0 $0x108  }
0x21: {  	s3 =	sadd.s32 s3, s9;
	s6 =	sadd.s32 @!p0 $0x88, s6;
	s7 =	simm.s32 @p2 $0x1082  }
0x22: {  	[simem:s7], [sflag:s8] =	dma.local @!p0 [hbm:s6], $0xF7A  }
0x23: {  	s9 =	sor.u32 $0xD0000000, s2;
	s6 =	simm.s32 $0x108;
	_ =	swait.ge @!p0 [sflag:s8], $0x0  }
0x24: {  	s3 =	sadd.s32 $0x88, s3;
	s6 =	simm.s32 @!p1 $0x1082;
	[sflag:s4] =	ssyncset.s32 $0xFFFFF086  }
0x25: {  	[simem:s6], [sflag:s4] =	dma.local [hbm:s3], $0xF7A  }
0x26: {  	[smem:$0x3F98] =	sst s1;
	(tag) =	ssettag s2;
	_ =	strace s9  }
0x27: {  	s1 =	sld [smem:$0x3FA8]  }
0x28: {  	s2 =	sld [smem:$0x3FA9]  }
0x29: {  	s4 =	sld [smem:$0x3FAB]  }
0x2a: {  	p0 =	seq.s32 s5, $0x0;
	s5 =	sld [smem:$0x3FAC]  }
0x2b: {  	s6 =	sld [smem:$0x3FAD]  }
0x2c: {  	s7 =	sld [smem:$0x3FAE]  }
0x2d: {  	s3 =	simm.s32 $0x108;
	s8 =	sld [smem:$0x3FAF]  }
0x2e: {  	s3 =	simm.s32 @!p0 $0x1082;
	s9 =	sld [smem:$0x3FB0]  }
0x2f: {  	lr =	sadd.s32 s0, s3;
	s0 =	sld [smem:$0x3FA7]  }
0x30: {  	s3 =	sld [smem:$0x3FAA]  }
0x31: {  	[smem:$0x3FB3] =	sst s10  }
0x32: {  	s10 =	sld [smem:$0x3FB1];
	_ =	sdelay $0x3  }
0x33: {  	p0 =	seq.s32 s10, $0x1;
	s10 =	sld [smem:$0x3FB3];
	_ =	sdelay $0x3  }
0x34: {  	[smem:$0x3FB3] =	sst s10  }
0x35: {  	s10 =	sld [smem:$0x3FB2];
	_ =	sdelay $0x3  }
0x36: {  	p1 =	seq.s32 s10, $0x1;
	s10 =	sld [smem:$0x3FB3];
	_ =	sdelay $0x3  }
0x37: {  	[smem:$0x3FB3] =	sst s10  }
0x38: {  	s10 =	sld [smem:$0x3FB4]  }
0x39: {  	_ = 	snop;
	(pc) =	sbr.ind lr, $3  }
0x3a: {  	_ = 	snop  }
0x3b: {  	_ = 	snop  }
0x3c: {  	p2 =	seq.s32 s10, $0x1;
	s10 =	sld [smem:$0x3FB3]  }
0x3d: {  	_ =	shalt  }
0x3e: {  	_ =	shalt  }
0x3f: {  	_ =	shalt  }
0x40: {  	_ =	shalt  }
0x41: {  	_ =	shalt  }
0x42: {  	_ =	shalt  }
0x43: {  	_ =	shalt  }
0x44: {  	_ =	shalt  }
0x45: {  	_ =	shalt  }
0x46: {  	_ =	shalt  }
0x47: {  	_ =	shalt  }
0x48: {  	_ =	shalt  }
0x49: {  	_ =	shalt  }
0x4a: {  	_ =	shalt  }
0x4b: {  	_ =	shalt  }
0x4c: {  	_ =	shalt  }
0x4d: {  	_ =	shalt  }
0x4e: {  	_ =	shalt  }
0x4f: {  	_ =	shalt  }
0x50: {  	_ =	shalt  }
0x51: {  	_ =	shalt  }
0x52: {  	_ =	shalt  }
0x53: {  	_ =	shalt  }
0x54: {  	_ =	shalt  }
0x55: {  	_ =	shalt  }
0x56: {  	_ =	shalt  }
0x57: {  	_ =	shalt  }
0x58: {  	_ =	shalt  }
0x59: {  	_ =	shalt  }
0x5a: {  	_ =	shalt  }
0x5b: {  	_ =	shalt  }
0x5c: {  	_ =	shalt  }
0x5d: {  	_ =	shalt  }
0x5e: {  	_ =	shalt  }
0x5f: {  	_ =	shalt  }
0x60: {  	_ =	shalt  }
0x61: {  	_ =	shalt  }
0x62: {  	_ =	shalt  }
0x63: {  	_ =	shalt  }
0x64: {  	_ =	shalt  }
0x65: {  	_ =	shalt  }
0x66: {  	_ =	shalt  }
0x67: {  	_ =	shalt  }
0x68: {  	_ =	shalt  }
0x69: {  	_ =	shalt  }
0x6a: {  	_ =	shalt  }
0x6b: {  	_ =	shalt  }
0x6c: {  	_ =	shalt  }
0x6d: {  	_ =	shalt  }
0x6e: {  	_ =	shalt  }
0x6f: {  	_ =	shalt  }
0x70: {  	_ =	shalt  }
0x71: {  	_ =	shalt  }
0x72: {  	_ =	shalt  }
0x73: {  	_ =	shalt  }
0x74: {  	_ =	shalt  }
0x75: {  	_ =	shalt  }
0x76: {  	_ =	shalt  }
0x77: {  	_ =	shalt  }
0x78: {  	_ =	shalt  }
0x79: {  	_ =	shalt  }
0x7a: {  	_ =	shalt  }
0x7b: {  	_ =	shalt  }
0x7c: {  	_ =	shalt  }
0x7d: {  	_ =	shalt  }
0x7e: {  	_ =	shalt  }
0x7f: {  	_ =	shalt  }
0x80: {  	_ =	shalt  }
0x81: {  	_ =	shalt  }
0x82: {  	_ =	shalt  }
0x83: {  	_ =	shalt  }
0x84: {  	_ =	shalt  }
0x85: {  	_ =	shalt  }
0x86: {  	_ =	shalt  }
0x87: {  	_ =	shalt  }
.Lfunc_end0:
.L_simem_size_0:
called_computation.1_lowered:
.L_overlay_start_0:
0x88: {  	s2 =	sld [smem:$0x3FD9]  }
0x89: {  	s3 =	sld [smem:$0x3FFE];
	_ =	sdelay $0x1  }
0x8a: {  	s1 =	srdreg.scid  }
0x8b: {  	s0 =	sand.u32 $0x1, s1  }
0x8c: {  	s17 =	sshll.u32 s0, $0xA;
	s2 =	sadd.s32 s3, s2  }
0x8d: {  	s2 =	sadd.s32 s2, s17  }
0x8e: {  	[smem:$0x3FBF] =	sst s2  }
0x8f: {  	_ = 	snop  }
0x90: {  	s2 =	sld [smem:$0x3FD0];
	(tm) =	ssettm $0x1  }
0x91: {  	s18 =	sld [smem:$0x3FFB];
	_ =	sdelay $0x3  }
0x92: {  	_ =	strace s18  }
0x93: {  	s3 =	sld [smem:$0x3FFC];
	_ =	sdelay $0x3  }
0x94: {  	_ =	strace s3  }
0x95: {  	s3 =	sld [smem:$0x3FFD];
	_ =	sdelay $0x3  }
0x96: {  	_ =	strace s3  }
0x97: {  	_ =	strace $0x8FFFFFFF  }
0x98: {  	s19 =	sld [smem:$0x3FDB];
	_ =	sdelay $0x1  }
0x99: {  	s4 =	simm.s32 $_scs_section_size  }
0x9a: {  	s5 =	simm.s32 $_size__tile_overlayer_lowered;
	s6 =	simm.s32 $_tile_overlayer_lowered  }
0x9b: {  	s22 =	simm.s32 $0x1BFF;
	s21 =	sshll.u32 s6, $0x1;
	s3 =	sadd.s32 s4, s19  }
0x9c: {  	s7 =	simm.s32 $0x0;
	s20 =	sshll.u32 s5, $0x1;
	s5 =	sadd.s32 s21, s3  }
0x9d: {  	[timem:s7], [sflag:s22] =	dma.local [hbm:s5], s20  }
0x9e: {  	_ =	swait.ge [sflag:s22], s20  }
0x9f: {  	s4 =	ssub.s32 $0x0, s20;
	[sflag:s22] =	ssyncset.done $0x0  }
0xa0: {  	[sflag:s22] =	ssyncadd.s32 s4;
	_ =	sdelay $0x1  }
0xa1: {  	s23 =	simm.s32 $0x1B8B  }
0xa2: {  	_ =	swait.ge [sflag:s23], $0x1  }
0xa3: {  	[sflag:s23] =	ssyncset.done $0x0  }
0xa4: {  	s25 =	simm.s32 $0x1B8E;
	s24 =	sld [smem:$0x3FFE];
	[sflag:s23] =	ssyncadd.s32 $0xFFFFFFFF  }
0xa5: {  	s26 =	simm.s32 $execute0_lowered;
	[smem:$0x3FD2] =	sst s25  }
0xa6: {  	s5 =	sshll.u32 s26, $0x1;
	_ =	strace $0x80000049;
	[dreg:$0x1] =	wrdreg $0xFFFFFFFF  }
0xa7: {  	s28 =	simm.s32 $_size_execute0_lowered;
	s3 =	sadd.s32 s3, s5;
	[dreg:$0x0] =	wrdreg $0x0  }
0xa8: {  	s5 =	sshll.u32 s28, $0x1;
	[dreg:$0x2] =	wrdreg s3  }
0xa9: {  	[dreg:$0x3] =	wrdreg s5  }
0xaa: {  	[dreg:$0x4] =	wrdreg $0xC0  }
0xab: {  	_ =	task [dreg:s7], $0x5FFFF  }
0xac: {  	[dreg:$0x1] =	wrdreg $0xFFFFFFFF  }
0xad: {  	[dreg:$0x0] =	wrdreg $0x60  }
0xae: {  	[dreg:$0x2] =	wrdreg s2  }
0xaf: {  	[dreg:$0x3] =	wrdreg s24  }
0xb0: {  	[dreg:$0x4] =	wrdreg $0x90800  }
0xb1: {  	[dreg:$0x5] =	wrdreg $0x9  }
0xb2: {  	_ =	task.clear_ibuf [dreg:s7], $0x6FFFF;
	_ =	strace $0x90000049  }
0xb3: {  	s29 =	simm.s32 $0x9;
	_ =	strace $0x8000004B  }
0xb4: {  	_ =	swait.ge [sflag:s29], $0x1  }
0xb5: {  	[sflag:s29] =	ssyncadd.s32 $0xFFFFFFFF  }
0xb6: {  	_ =	strace $0x9000004B  }
0xb7: {  	_ =	sfence  }
0xb8: {  	s30 =	sld [smem:$0x0];
	_ =	sdelay $0x2  }
0xb9: {  	s31 =	sshll.u32 s1, $0xD;
	s1 =	sshrl.u32 s1, $0x2  }
0xba: {  	s3 =	sand.u32 $0x4000, s31;
	s1 =	sadd.s32 s1, s30  }
0xbb: {  	s0 =	sor.u32 s3, s0;
	s1 =	sshll.u32 s1, $0x11  }
0xbc: {  	s0 =	sor.u32 s1, s0  }
0xbd: {  	s0 =	sadd.s32 $0x8F2B, s0  }
0xbe: {  	[sflag:s0] =	ssyncadd.remote.s32 $0x1  }
0xbf: {  	_ =	sfence.sel $0xFFFF  }
0xc0: {  	[dreg:$0x0] =	wrdreg $0xFFFFFFFF;
	(pc) =	sbr.abs _section_cstart, $3  }
0xc1: {  	[dreg:$0x1] =	wrdreg $0xFFFFFFFF  }
0xc2: {  	_ =	task.clear_ibuf [dreg:s7], $0x2FFFF;
	_ =	strace $0x9FFFFFFF  }
0xc3: {  	(tm) =	ssettm $0x7FFFFFFF  }
tec
execute0_lowered:
.L_overlay_start_1:
0x0: {  	(tag) =	ssettag $0x1  }
0x1: {  	s8 =	rddreg [dreg:$0x0]  }
0x2: {  	s7 =	rddreg [dreg:$0x1]  }
0x3: {  	s0 =	srdreg.scid;
	s2 =	rddreg [dreg:$0x2];
	s3 =	simm.s32 $0x0  }
0x4: {  	s16 =	simm.s32 $0x2;
	s17 =	simm.s32 $0x80;
	s18 =	simm.s32 $0x5080  }
0x5: {  	s20 =	simm.s32 $0x0;
	s6 =	sand.u32 $0x1, s0;
	s0 =	stileid.u32  }
0x6: {  	[smem:$0x7FF] =	sst s3;
	s5 =	sadd.s32 $0x16600, s7;
	s11 =	smul.u32 $0x140000, s6  }
0x7: {  	s1 =	sshll.u32 s6, $0x4;
	s4 =	sshll.u32 s0, $0x4;
	s12 =	smul.u32 $0x14000, s0  }
0x8: {  	s6 =	ssub.s32 $0x2, s6;
	s28 =	smul.u32 $0x50000, s0;
	s19 =	sshll.u32 s0, $0x6  }
0x9: {  	s9 =	sor.u32 s0, s1;
	s1 =	rddreg [dreg:$0x3];
	s4 =	sand.u32 $0x70, s4  }
0xa: {  	_ =	strace $0x8000004A;
	s29 =	sshrl.u32 s6, $0x1;
	s10 =	smul.u32 $0x500, s9  }
0xb: {  	s14 =	sadd.s32 s4, s7;
	s4 =	sadd.s32 $0x3E600, s7;
	s11 =	sadd.s32 s12, s11  }
0xc: {  	s9 =	sshll.u32 s9, $0x4;
	s15 =	ssub.s32 s6, s29;
	s30 =	sshrl.u32 s28, $0x2  }
0xd: {  	s6 =	sor.u32 $0x1C02, s19;
	s19 =	sor.u32 $0x1C03, s19;
	s11 =	sshrl.u32 s11, $0x3  }
.Ltmp0:
0xe: {  	s31 =	sand.u32 $0x180, s9;
	s12 =	sadd.s32 s30, s2;
	(pc) =	sbr.rel .LBB2_1-.Ltmp0, $4  }
0xf: {  	s13 =	sadd.s32 s10, s7;
	s11 =	sadd.s32 s11, s7;
	s7 =	sadd.s32 s31, s14  }
0x10: {  	s8 =	sadd.s32 s8, s10;
	s12 =	sshrl.u32 s12, $0x3;
	s14 =	simm.s32 $0x3  }
0x11: {  	s7 =	sadd.s32 $0x3E200, s7;
	s9 =	sadd.s32 $0x2600, s13;
	s10 =	sadd.s32 $0x66600, s11  }
0x12: {  	s11 =	smax.u32 s15, $0x1;
	s13 =	simm.s32 $0x5000;
	s15 =	simm.s32 $0x1  }
.LBB2_4:
0x13: {  	[sflag:s14] =	ssyncadd.s32 $0xFFFFC000  }
.LBB2_5:
0x14: {  	s20 =	sadd.s32 $0x1, s20  }
0x15: {  	p0 =	sne.s32 s20, s11  }
.Ltmp1:
0x16: {  	[bflag:$0x0] =	sbarrier.arrive $0xFFFF;
	(pc) =	sbr.rel @!p0 .LBB2_6-.Ltmp1, $4  }
0x17: {  	[hbm:s10], [sflag:s19] =	dma.local [spmem:s12], $0x2800  }
0x18: {  	_ =	swait.ge [sflag:s14], $0x2800  }
0x19: {  	[sflag:s14] =	ssyncset.done $0x0  }
0x1a: {  	[sflag:s14] =	ssyncadd.s32 $0xFFFFD800  }
.LBB2_1:
0x1b: {  	[spmem:s12], [sflag:s6] =	dma.local [hbm:s5], $0x2800  }
0x1c: {  	[tilespmem:s13], [sflag:$0x3] =	stream.linear.gather [hbm4b:s7+s3], $0x80, $0x38;
	[tilespmem:$0x1D080] =	vst v63  }
0x1d: {  	_ =	swait.ge [sflag:s14], $0x80  }
0x1e: {  	[sflag:s14] =	ssyncset.done $0x0  }
0x1f: {  	[sflag:s14] =	ssyncadd.s32 $0xFFFFFF80  }
0x20: {  	v0 =	vld [tilespmem:$0x5000];
	_ =	sdelay $0x4  }
0x21: {  	v0 =	vxor.u32 $0x80000000, v0  }
0x22: {  	(xrf0) =	vmax.scan.msk.u32 $0xffff, v0;
	_ =	sdelay $0x5  }
0x23: {  	v0, _, _ =	vpop (xrf0)  }
0x24: {  	(v2sf) =	vpush v0, $0xF;
	_ =	sdelay $0xd  }
0x25: {  	[tilespmem:s3], [sflag:$0x3] =	stream.linear.gather [hbm4b:s8+s3], $0x2800, $0x38;
	[tilespmem:$0x1D080] =	vst v63  }
0x26: {  	s21 =	spop (v2sf)  }
0x27: {  	s22 =	sadd.s32 $0x8000007F, s21  }
0x28: {  	_ =	swait.ge [sflag:s14], $0x2800;
	s23 =	sshra.s32 s22, $0x1F  }
0x29: {  	s21 =	sand.u32 $0x7F, s22;
	[sflag:s14] =	ssyncset.done $0x0;
	p1 =	slt.s32 s22, $0x1  }
0x2a: {  	p0 =	sne.s32 s21, $0x0;
	[sflag:s14] =	ssyncadd.s32 $0xFFFFD800;
	s21 =	simm.s32 $0x2800  }
0x2b: {  	[tilespmem:s21], [sflag:$0x3] =	stream.linear.gather [hbm4b:s9+s3], $0x2800, $0x38;
	[tilespmem:$0x1D080] =	vst v63  }
0x2c: {  	s23 =	sshrl.u32 s23, $0x19;
	p0 =	por !p1, !p0  }
0x2d: {  	s22 =	sadd.s32 s23, s22;
	s23 =	simm.s32 $0x1;
	p0 =	por !p0, !p0  }
0x2e: {  	_ =	swait.ge [sflag:s14], $0x2800;
	s22 =	sshra.s32 s22, $0x7;
	s23 =	simm.s32 @!p0 $0x0  }
0x2f: {  	[sflag:s14] =	ssyncset.done $0x0;
	s22 =	ssub.s32 s22, s23  }
0x30: {  	[sflag:s14] =	ssyncadd.s32 $0xFFFFD800;
	p0 =	slt.s32 s22, $0x1  }
.Ltmp2:
0x31: {  	_ =	swait.ge [sflag:s16], $0x2800;
	(pc) =	sbr.rel @p0 .LBB2_5-.Ltmp2, $3  }
0x32: {  	[sflag:s16] =	ssyncset.done $0x0  }
0x33: {  	[sflag:s16] =	ssyncadd.s32 $0xFFFFD800  }
0x34: {  	[bflag:$0x0] =	sbarrier.arrive $0xFFFF;
	_ =	sdelay $0x1  }
0x35: {  	[tilespmem:s18], [sflag:$0x1] =	stream.indirect.gather [hbm4b:s4+s17], $0x80, s3, s17, $0xb8;
	[tilespmem:$0x1D080] =	vst v63  }
0x36: {  	p0 =	sne.s32 s22, $0x1;
	_ =	swait.ge [sflag:s15], $0x4000  }
.Ltmp3:
0x37: {  	[sflag:s15] =	ssyncset.done $0x0;
	(pc) =	sbr.rel @!p0 .LBB2_4-.Ltmp3, $4  }
0x38: {  	[sflag:s15] =	ssyncadd.s32 $0xFFFFC000  }
0x39: {  	[spmem:s2] =	stream.indirect.scatter.add.f32 [tilespmem:s18], [sflag:$0x3], $0x80, s21, s17, $0xb8;
	[tilespmem:$0x1D080] =	vst v63  }
0x3a: {  	_ =	swait.ge [sflag:s14], $0x4000  }
0x3b: {  	s22 =	sadd.s32 $0xFFFFFFFF, s22;
	s23 =	simm.s32 $0x0;
	[sflag:s14] =	ssyncset.done $0x0  }
.LBB2_3:
0x3c: {  	[sflag:s14] =	ssyncadd.s32 $0xFFFFC000;
	s23 =	sadd.s32 $0x80, s23;
	s21 =	sadd.s32 $0x80, s21  }
0x3d: {  	[tilespmem:s18], [sflag:$0x1] =	stream.indirect.gather [hbm4b:s4+s17], $0x80, s23, s17, $0xb8;
	[tilespmem:$0x1D080] =	vst v63  }
0x3e: {  	p0 =	sne.s32 s22, $0x1;
	s22 =	sadd.s32 $0xFFFFFFFF, s22;
	_ =	swait.ge [sflag:s15], $0x4000  }
.Ltmp4:
0x3f: {  	[sflag:s15] =	ssyncset.done $0x0;
	(pc) =	sbr.rel @p0 .LBB2_3-.Ltmp4, $4  }
0x40: {  	[sflag:s15] =	ssyncadd.s32 $0xFFFFC000  }
0x41: {  	[spmem:s2] =	stream.indirect.scatter.add.f32 [tilespmem:s18], [sflag:$0x3], $0x80, s21, s17, $0xb8;
	[tilespmem:$0x1D080] =	vst v63  }
0x42: {  	_ =	swait.ge [sflag:s14], $0x4000  }
0x43: {  	[sflag:s14] =	ssyncset.done $0x0  }
.Ltmp5:
0x44: {  	_ = 	snop;
	(pc) =	sbr.rel .LBB2_4-.Ltmp5, $1  }
0x45: {  	_ =	sdelay $0x3  }
.LBB2_6:
0x46: {  	_ =	sfence.sel $0x180000  }
0x47: {  	[bflag:$0x0] =	sbarrier.arrive $0xFFFF  }
0x48: {  	p0 =	sne.s32 s0, $0x0;
	_ =	strace $0x9000004A  }
0x49: {  	s0 =	sadd.s32 @!p0 $0x100000, s1;
	[bflag:$0x2] =	sbarrier.arrive $0xFFFF  }
0x4a: {  	[sflag:s0] =	ssyncadd.tile.s32 @!p0 $0x1;
	_ =	shalt  }
.Lfunc_end2:
_tile_overlayer_lowered:
.L_overlay_start_2:
0x4b: {  	(tag) =	ssettag $0x2  }
0x4c: {  	s0 =	rddreg [dreg:$0x0];
	s2 =	stileid.u32  }
0x4d: {  	s1 =	rddreg [dreg:$0x1];
	p0 =	sne.s32 s2, $0x0  }
0x4e: {  	s3 =	rddreg [dreg:$0x2];
	[bflag:$0x3] =	sbarrier.arrive $0xFFFF;
	s2 =	simm.s32 @!p0 $0x1C03  }
0x4f: {  	[timem:s3], [sflag:s2] =	dma.local @!p0 [hbm:s0], s1  }
0x50: {  	s0 =	simm.s32 @!p0 $0x3  }
0x51: {  	_ =	swait.ge @!p0 [sflag:s0], s1  }
0x52: {  	s1 =	ssub.s32 @!p0 $0x0, s1;
	[sflag:s0] =	ssyncset.done @!p0 $0x0  }
0x53: {  	[sflag:s0] =	ssyncadd.s32 @!p0 s1  }
0x54: {  	[bflag:$0x3] =	sbarrier.arrive $0xFFFF  }
0x55: {  	_ =	shalt  }

// kernel: kernel.14.cloned.1.call-start
scs
__scs_entry_jumppad:
0x0: {  	(pc) =	sbr.rel $0x88, $3  }
0x1: {  	(tag) =	ssettag $0x0;
	lr =	simm.s32 $0x1  }
0x2: {  	[smem:$0x3F98] =	sst lr;
	_ =	strace $0xD0000000  }
0x3: {  	_ = 	snop  }
0x4: {  	_ = 	snop  }
0x5: {  	_ = 	snop  }
0x6: {  	_ = 	snop  }
0x7: {  	_ = 	snop  }
__scs_overlays_trampoline_lowered:
0x8: {  	[smem:$0x3FA7] =	sst s0  }
0x9: {  	[smem:$0x3FA8] =	sst s1  }
0xa: {  	[smem:$0x3FA9] =	sst s2  }
0xb: {  	[smem:$0x3FAA] =	sst s3  }
0xc: {  	[smem:$0x3FAB] =	sst s4  }
0xd: {  	[smem:$0x3FAC] =	sst s5  }
0xe: {  	[smem:$0x3FAD] =	sst s6  }
0xf: {  	[smem:$0x3FAE] =	sst s7  }
0x10: {  	[smem:$0x3FAF] =	sst s8  }
0x11: {  	[smem:$0x3FB0] =	sst s9;
	s0 =	simm.s32 @!p0 $0x0  }
0x12: {  	s1 =	sld [smem:$0x3F96];
	s0 =	simm.s32 @p0 $0x1  }
0x13: {  	[smem:$0x3FB1] =	sst s0;
	s0 =	simm.s32 @!p1 $0x0  }
0x14: {  	s2 =	sld [smem:$0x3F95];
	s0 =	simm.s32 @p1 $0x1  }
0x15: {  	[smem:$0x3FB2] =	sst s0;
	s0 =	simm.s32 @!p2 $0x0  }
0x16: {  	s3 =	sld [smem:$0x3FDB];
	s0 =	simm.s32 @p2 $0x1  }
0x17: {  	s4 =	simm.s32 $0x1BF5;
	[smem:$0x3FB4] =	sst s0  }
0x18: {  	s0 =	sld [smem:$0x3F97];
	_ =	swait.ge [sflag:s4], $0x0  }
0x19: {  	s7 =	sld [smem:$0x3F98]  }
0x1a: {  	s8 =	sadd.s32 $0xFFFFE003, lr  }
0x1b: {  	s9 =	sadd.s32 $0xFFFFFEF7, lr;
	s5 =	simm.s32 $0xFFFFFFFF;
	p2 =	slt.u32 s8, $0xFFFFF086  }
0x1c: {  	p1 =	slt.u32 s9, $0xF7A;
	s5 =	simm.s32 @!p2 $0x0  }
0x1d: {  	s5 =	simm.s32 @p1 $0x1;
	p0 =	seq.s32 s7, s2  }
0x1e: {  	s7 =	smul.u32 @!p0 $0xF7A, s2;
	p2 =	seq.s32 @!p0 s5, $0x0  }
0x1f: {  	s9 =	smul.u32 $0xF7A, s1;
	s8 =	simm.s32 @!p0 $0x1BF5;
	p2 =	por !p2, p0  }
0x20: {  	[sflag:s8] =	ssyncset.s32 @!p0 $0xFFFFF086;
	s6 =	sadd.s32 @!p0 s3, s7;
	s7 =	simm.s32 @!p0 $0x108  }
0x21: {  	s3 =	sadd.s32 s3, s9;
	s6 =	sadd.s32 @!p0 $0x88, s6;
	s7 =	simm.s32 @p2 $0x1082  }
0x22: {  	[simem:s7], [sflag:s8] =	dma.local @!p0 [hbm:s6], $0xF7A  }
0x23: {  	s9 =	sor.u32 $0xD0000000, s2;
	s6 =	simm.s32 $0x108;
	_ =	swait.ge @!p0 [sflag:s8], $0x0  }
0x24: {  	s3 =	sadd.s32 $0x88, s3;
	s6 =	simm.s32 @!p1 $0x1082;
	[sflag:s4] =	ssyncset.s32 $0xFFFFF086  }
0x25: {  	[simem:s6], [sflag:s4] =	dma.local [hbm:s3], $0xF7A  }
0x26: {  	[smem:$0x3F98] =	sst s1;
	(tag) =	ssettag s2;
	_ =	strace s9  }
0x27: {  	s1 =	sld [smem:$0x3FA8]  }
0x28: {  	s2 =	sld [smem:$0x3FA9]  }
0x29: {  	s4 =	sld [smem:$0x3FAB]  }
0x2a: {  	p0 =	seq.s32 s5, $0x0;
	s5 =	sld [smem:$0x3FAC]  }
0x2b: {  	s6 =	sld [smem:$0x3FAD]  }
0x2c: {  	s7 =	sld [smem:$0x3FAE]  }
0x2d: {  	s3 =	simm.s32 $0x108;
	s8 =	sld [smem:$0x3FAF]  }
0x2e: {  	s3 =	simm.s32 @!p0 $0x1082;
	s9 =	sld [smem:$0x3FB0]  }
0x2f: {  	lr =	sadd.s32 s0, s3;
	s0 =	sld [smem:$0x3FA7]  }
0x30: {  	s3 =	sld [smem:$0x3FAA]  }
0x31: {  	[smem:$0x3FB3] =	sst s10  }
0x32: {  	s10 =	sld [smem:$0x3FB1];
	_ =	sdelay $0x3  }
0x33: {  	p0 =	seq.s32 s10, $0x1;
	s10 =	sld [smem:$0x3FB3];
	_ =	sdelay $0x3  }
0x34: {  	[smem:$0x3FB3] =	sst s10  }
0x35: {  	s10 =	sld [smem:$0x3FB2];
	_ =	sdelay $0x3  }
0x36: {  	p1 =	seq.s32 s10, $0x1;
	s10 =	sld [smem:$0x3FB3];
	_ =	sdelay $0x3  }
0x37: {  	[smem:$0x3FB3] =	sst s10  }
0x38: {  	s10 =	sld [smem:$0x3FB4]  }
0x39: {  	_ = 	snop;
	(pc) =	sbr.ind lr, $3  }
0x3a: {  	_ = 	snop  }
0x3b: {  	_ = 	snop  }
0x3c: {  	p2 =	seq.s32 s10, $0x1;
	s10 =	sld [smem:$0x3FB3]  }
0x3d: {  	_ =	shalt  }
0x3e: {  	_ =	shalt  }
0x3f: {  	_ =	shalt  }
0x40: {  	_ =	shalt  }
0x41: {  	_ =	shalt  }
0x42: {  	_ =	shalt  }
0x43: {  	_ =	shalt  }
0x44: {  	_ =	shalt  }
0x45: {  	_ =	shalt  }
0x46: {  	_ =	shalt  }
0x47: {  	_ =	shalt  }
0x48: {  	_ =	shalt  }
0x49: {  	_ =	shalt  }
0x4a: {  	_ =	shalt  }
0x4b: {  	_ =	shalt  }
0x4c: {  	_ =	shalt  }
0x4d: {  	_ =	shalt  }
0x4e: {  	_ =	shalt  }
0x4f: {  	_ =	shalt  }
0x50: {  	_ =	shalt  }
0x51: {  	_ =	shalt  }
0x52: {  	_ =	shalt  }
0x53: {  	_ =	shalt  }
0x54: {  	_ =	shalt  }
0x55: {  	_ =	shalt  }
0x56: {  	_ =	shalt  }
0x57: {  	_ =	shalt  }
0x58: {  	_ =	shalt  }
0x59: {  	_ =	shalt  }
0x5a: {  	_ =	shalt  }
0x5b: {  	_ =	shalt  }
0x5c: {  	_ =	shalt  }
0x5d: {  	_ =	shalt  }
0x5e: {  	_ =	shalt  }
0x5f: {  	_ =	shalt  }
0x60: {  	_ =	shalt  }
0x61: {  	_ =	shalt  }
0x62: {  	_ =	shalt  }
0x63: {  	_ =	shalt  }
0x64: {  	_ =	shalt  }
0x65: {  	_ =	shalt  }
0x66: {  	_ =	shalt  }
0x67: {  	_ =	shalt  }
0x68: {  	_ =	shalt  }
0x69: {  	_ =	shalt  }
0x6a: {  	_ =	shalt  }
0x6b: {  	_ =	shalt  }
0x6c: {  	_ =	shalt  }
0x6d: {  	_ =	shalt  }
0x6e: {  	_ =	shalt  }
0x6f: {  	_ =	shalt  }
0x70: {  	_ =	shalt  }
0x71: {  	_ =	shalt  }
0x72: {  	_ =	shalt  }
0x73: {  	_ =	shalt  }
0x74: {  	_ =	shalt  }
0x75: {  	_ =	shalt  }
0x76: {  	_ =	shalt  }
0x77: {  	_ =	shalt  }
0x78: {  	_ =	shalt  }
0x79: {  	_ =	shalt  }
0x7a: {  	_ =	shalt  }
0x7b: {  	_ =	shalt  }
0x7c: {  	_ =	shalt  }
0x7d: {  	_ =	shalt  }
0x7e: {  	_ =	shalt  }
0x7f: {  	_ =	shalt  }
0x80: {  	_ =	shalt  }
0x81: {  	_ =	shalt  }
0x82: {  	_ =	shalt  }
0x83: {  	_ =	shalt  }
0x84: {  	_ =	shalt  }
0x85: {  	_ =	shalt  }
0x86: {  	_ =	shalt  }
0x87: {  	_ =	shalt  }
.Lfunc_end0:
.L_simem_size_0:
called_computation.2_lowered:
.L_overlay_start_0:
0x88: {  	s2 =	sld [smem:$0x3FD9]  }
0x89: {  	s3 =	sld [smem:$0x3FFE];
	_ =	sdelay $0x1  }
0x8a: {  	s1 =	srdreg.scid  }
0x8b: {  	s0 =	sand.u32 $0x1, s1  }
0x8c: {  	s17 =	sshll.u32 s0, $0xA;
	s2 =	sadd.s32 s3, s2  }
0x8d: {  	s2 =	sadd.s32 s2, s17  }
0x8e: {  	[smem:$0x3FBF] =	sst s2  }
0x8f: {  	_ = 	snop  }
0x90: {  	s2 =	sld [smem:$0x3FD0];
	(tm) =	ssettm $0x1  }
0x91: {  	s18 =	sld [smem:$0x3FFB];
	_ =	sdelay $0x3  }
0x92: {  	_ =	strace s18  }
0x93: {  	s3 =	sld [smem:$0x3FFC];
	_ =	sdelay $0x3  }
0x94: {  	_ =	strace s3  }
0x95: {  	s3 =	sld [smem:$0x3FFD];
	_ =	sdelay $0x3  }
0x96: {  	_ =	strace s3  }
0x97: {  	_ =	strace $0x8FFFFFFF  }
0x98: {  	s19 =	sld [smem:$0x3FDB];
	_ =	sdelay $0x1  }
0x99: {  	s4 =	simm.s32 $_scs_section_size  }
0x9a: {  	s5 =	simm.s32 $_size__tile_overlayer_lowered;
	s6 =	simm.s32 $_tile_overlayer_lowered  }
0x9b: {  	s22 =	simm.s32 $0x1BFF;
	s21 =	sshll.u32 s6, $0x1;
	s3 =	sadd.s32 s4, s19  }
0x9c: {  	s7 =	simm.s32 $0x0;
	s20 =	sshll.u32 s5, $0x1;
	s5 =	sadd.s32 s21, s3  }
0x9d: {  	[timem:s7], [sflag:s22] =	dma.local [hbm:s5], s20  }
0x9e: {  	_ =	swait.ge [sflag:s22], s20  }
0x9f: {  	s4 =	ssub.s32 $0x0, s20;
	[sflag:s22] =	ssyncset.done $0x0  }
0xa0: {  	[sflag:s22] =	ssyncadd.s32 s4;
	_ =	sdelay $0x1  }
0xa1: {  	s23 =	simm.s32 $0x1B8B  }
0xa2: {  	_ =	swait.ge [sflag:s23], $0x1  }
0xa3: {  	[sflag:s23] =	ssyncset.done $0x0  }
0xa4: {  	s25 =	simm.s32 $0x1B8E;
	s24 =	sld [smem:$0x3FFE];
	[sflag:s23] =	ssyncadd.s32 $0xFFFFFFFF  }
0xa5: {  	s26 =	simm.s32 $execute0_lowered;
	[smem:$0x3FD2] =	sst s25  }
0xa6: {  	s5 =	sshll.u32 s26, $0x1;
	_ =	strace $0x8000004C;
	[dreg:$0x1] =	wrdreg $0xFFFFFFFF  }
0xa7: {  	s28 =	simm.s32 $_size_execute0_lowered;
	s3 =	sadd.s32 s3, s5;
	[dreg:$0x0] =	wrdreg $0x0  }
0xa8: {  	s5 =	sshll.u32 s28, $0x1;
	[dreg:$0x2] =	wrdreg s3  }
0xa9: {  	[dreg:$0x3] =	wrdreg s5  }
0xaa: {  	[dreg:$0x4] =	wrdreg $0xC0  }
0xab: {  	_ =	task [dreg:s7], $0x5FFFF  }
0xac: {  	[dreg:$0x1] =	wrdreg $0xFFFFFFFF  }
0xad: {  	[dreg:$0x0] =	wrdreg $0x60  }
0xae: {  	[dreg:$0x2] =	wrdreg s2  }
0xaf: {  	[dreg:$0x3] =	wrdreg s24  }
0xb0: {  	[dreg:$0x4] =	wrdreg $0x90800  }
0xb1: {  	[dreg:$0x5] =	wrdreg $0x9  }
0xb2: {  	_ =	task.clear_ibuf [dreg:s7], $0x6FFFF;
	_ =	strace $0x9000004C  }
0xb3: {  	s29 =	simm.s32 $0x9;
	_ =	strace $0x8000004E  }
0xb4: {  	_ =	swait.ge [sflag:s29], $0x1  }
0xb5: {  	[sflag:s29] =	ssyncadd.s32 $0xFFFFFFFF  }
0xb6: {  	_ =	strace $0x9000004E  }
0xb7: {  	_ =	sfence  }
0xb8: {  	s30 =	sld [smem:$0x0];
	_ =	sdelay $0x2  }
0xb9: {  	s31 =	sshll.u32 s1, $0xD;
	s1 =	sshrl.u32 s1, $0x2  }
0xba: {  	s3 =	sand.u32 $0x4000, s31;
	s1 =	sadd.s32 s1, s30  }
0xbb: {  	s0 =	sor.u32 s3, s0;
	s1 =	sshll.u32 s1, $0x11  }
0xbc: {  	s0 =	sor.u32 s1, s0  }
0xbd: {  	s0 =	sadd.s32 $0x8F2B, s0  }
0xbe: {  	[sflag:s0] =	ssyncadd.remote.s32 $0x1  }
0xbf: {  	_ =	sfence.sel $0xFFFF  }
0xc0: {  	[dreg:$0x0] =	wrdreg $0xFFFFFFFF;
	(pc) =	sbr.abs _section_cstart, $3  }
0xc1: {  	[dreg:$0x1] =	wrdreg $0xFFFFFFFF  }
0xc2: {  	_ =	task.clear_ibuf [dreg:s7], $0x2FFFF;
	_ =	strace $0x9FFFFFFF  }
0xc3: {  	(tm) =	ssettm $0x7FFFFFFF  }
tec
execute0_lowered:
.L_overlay_start_1:
0x0: {  	(tag) =	ssettag $0x1  }
0x1: {  	s12 =	rddreg [dreg:$0x0]  }
0x2: {  	s6 =	rddreg [dreg:$0x1]  }
0x3: {  	s1 =	rddreg [dreg:$0x2]  }
0x4: {  	s2 =	srdreg.scid;
	s0 =	rddreg [dreg:$0x3];
	s3 =	simm.s32 $0x0  }
0x5: {  	s18 =	simm.s32 $0x3;
	s19 =	simm.s32 $0x1;
	s20 =	simm.s32 $0x2  }
0x6: {  	s21 =	simm.s32 $0x80;
	s22 =	simm.s32 $0x5080;
	s23 =	simm.s32 $0x0  }
0x7: {  	s7 =	sand.u32 $0x1, s2;
	s2 =	stileid.u32;
	[smem:$0x7FF] =	sst s3  }
0x8: {  	s13 =	sadd.s32 $0x2600, s6;
	s4 =	sshll.u32 s7, $0x4;
	s9 =	smul.u32 $0x140000, s7  }
0x9: {  	_ =	strace $0x8000004D;
	s5 =	sshll.u32 s2, $0x4;
	s10 =	smul.u32 $0x14000, s2  }
0xa: {  	s7 =	ssub.s32 $0x2, s7;
	s29 =	smul.u32 $0x50000, s2;
	s8 =	sor.u32 s2, s4  }
0xb: {  	s5 =	sand.u32 $0x70, s5;
	s14 =	sshrl.u32 s7, $0x1;
	s4 =	sshll.u32 s8, $0x4  }
0xc: {  	s9 =	sadd.s32 s10, s9;
	s8 =	smul.u32 $0x2800, s8;
	s16 =	ssub.s32 s7, s14  }
0xd: {  	s30 =	sshrl.u32 s29, $0x2;
	s4 =	sand.u32 $0x180, s4;
	s9 =	sshrl.u32 s9, $0x3  }
0xe: {  	s17 =	sadd.s32 s30, s1;
	s4 =	sor.u32 s5, s4;
	s5 =	sadd.s32 $0x16600, s6  }
0xf: {  	s15 =	sadd.s32 s9, s6;
	s31 =	sshrl.u32 s8, $0x3;
	s11 =	sadd.s32 s4, s6  }
.Ltmp0:
0x10: {  	s4 =	sadd.s32 $0x3E600, s6;
	s6 =	sshll.u32 s2, $0x6;
	(pc) =	sbr.rel .LBB2_1-.Ltmp0, $4  }
0x11: {  	s9 =	sadd.s32 s12, s31;
	s10 =	sadd.s32 s13, s31;
	s14 =	sadd.s32 $0xA000, s31  }
0x12: {  	s7 =	sor.u32 $0x1C02, s6;
	s8 =	sadd.s32 $0x3E200, s11;
	s11 =	sadd.s32 $0x3E400, s11  }
0x13: {  	s12 =	sadd.s32 s12, s14;
	s13 =	sadd.s32 s13, s14;
	s14 =	sadd.s32 $0x8E600, s15  }
0x14: {  	s15 =	smax.u32 s16, $0x1;
	s16 =	sshrl.u32 s17, $0x3;
	s17 =	simm.s32 $0x5000  }
.LBB2_8:
0x15: {  	[sflag:s18] =	ssyncadd.s32 $0xFFFFC000  }
.LBB2_9:
0x16: {  	s23 =	sadd.s32 $0x1, s23  }
0x17: {  	p0 =	sne.s32 s23, s15  }
.Ltmp1:
0x18: {  	[bflag:$0x0] =	sbarrier.arrive $0xFFFF;
	s24 =	sor.u32 $0x1C03, s6;
	(pc) =	sbr.rel @!p0 .LBB2_10-.Ltmp1, $4  }
0x19: {  	[hbm:s14], [sflag:s24] =	dma.local [spmem:s16], $0x2800  }
0x1a: {  	_ =	swait.ge [sflag:s18], $0x2800  }
0x1b: {  	[sflag:s18] =	ssyncset.done $0x0  }
0x1c: {  	[sflag:s18] =	ssyncadd.s32 $0xFFFFD800  }
.LBB2_1:
0x1d: {  	[spmem:s16], [sflag:s7] =	dma.local [hbm:s5], $0x2800  }
0x1e: {  	[tilespmem:s17], [sflag:$0x3] =	stream.linear.gather [hbm4b:s8+s3], $0x80, $0x38;
	[tilespmem:$0x1D080] =	vst v63  }
0x1f: {  	_ =	swait.ge [sflag:s18], $0x80  }
0x20: {  	[sflag:s18] =	ssyncset.done $0x0  }
0x21: {  	[sflag:s18] =	ssyncadd.s32 $0xFFFFFF80  }
0x22: {  	v0 =	vld [tilespmem:$0x5000];
	_ =	sdelay $0x4  }
0x23: {  	v0 =	vxor.u32 $0x80000000, v0  }
0x24: {  	(xrf0) =	vmax.scan.msk.u32 $0xffff, v0;
	_ =	sdelay $0x5  }
0x25: {  	v0, _, _ =	vpop (xrf0)  }
0x26: {  	(v2sf) =	vpush v0, $0xF;
	_ =	sdelay $0xd  }
0x27: {  	[tilespmem:s3], [sflag:$0x3] =	stream.linear.gather [hbm4b:s9+s3], $0x2800, $0x38;
	[tilespmem:$0x1D080] =	vst v63  }
0x28: {  	s24 =	spop (v2sf)  }
0x29: {  	s25 =	sadd.s32 $0x8000007F, s24  }
0x2a: {  	_ =	swait.ge [sflag:s18], $0x2800;
	s26 =	sshra.s32 s25, $0x1F  }
0x2b: {  	s24 =	sand.u32 $0x7F, s25;
	[sflag:s18] =	ssyncset.done $0x0;
	p1 =	slt.s32 s25, $0x1  }
0x2c: {  	p0 =	sne.s32 s24, $0x0;
	[sflag:s18] =	ssyncadd.s32 $0xFFFFD800;
	s24 =	simm.s32 $0x2800  }
0x2d: {  	[tilespmem:s24], [sflag:$0x3] =	stream.linear.gather [hbm4b:s10+s3], $0x2800, $0x38;
	[tilespmem:$0x1D080] =	vst v63  }
0x2e: {  	s26 =	sshrl.u32 s26, $0x19;
	p0 =	por !p1, !p0  }
0x2f: {  	s25 =	sadd.s32 s26, s25;
	s26 =	simm.s32 $0x1;
	p0 =	por !p0, !p0  }
0x30: {  	_ =	swait.ge [sflag:s18], $0x2800;
	s25 =	sshra.s32 s25, $0x7;
	s26 =	simm.s32 @!p0 $0x0  }
0x31: {  	[sflag:s18] =	ssyncset.done $0x0;
	s25 =	ssub.s32 s25, s26  }
0x32: {  	[sflag:s18] =	ssyncadd.s32 $0xFFFFD800;
	p0 =	slt.s32 s25, $0x1  }
.Ltmp2:
0x33: {  	_ =	swait.ge [sflag:s20], $0x2800;
	(pc) =	sbr.rel @p0 .LBB2_5-.Ltmp2, $3  }
0x34: {  	[sflag:s20] =	ssyncset.done $0x0  }
0x35: {  	[sflag:s20] =	ssyncadd.s32 $0xFFFFD800  }
0x36: {  	[bflag:$0x0] =	sbarrier.arrive $0xFFFF;
	_ =	sdelay $0x1  }
0x37: {  	[tilespmem:s22], [sflag:$0x1] =	stream.indirect.gather [hbm4b:s4+s21], $0x80, s3, s21, $0xb8;
	[tilespmem:$0x1D080] =	vst v63  }
0x38: {  	p0 =	sne.s32 s25, $0x1;
	_ =	swait.ge [sflag:s19], $0x4000  }
.Ltmp3:
0x39: {  	[sflag:s19] =	ssyncset.done $0x0;
	(pc) =	sbr.rel @!p0 .LBB2_4-.Ltmp3, $4  }
0x3a: {  	[sflag:s19] =	ssyncadd.s32 $0xFFFFC000  }
0x3b: {  	[spmem:s1] =	stream.indirect.scatter.add.f32 [tilespmem:s22], [sflag:$0x3], $0x80, s24, s21, $0xb8;
	[tilespmem:$0x1D080] =	vst v63  }
0x3c: {  	_ =	swait.ge [sflag:s18], $0x4000  }
0x3d: {  	s25 =	sadd.s32 $0xFFFFFFFF, s25;
	s26 =	simm.s32 $0x0;
	[sflag:s18] =	ssyncset.done $0x0  }
.LBB2_3:
0x3e: {  	[sflag:s18] =	ssyncadd.s32 $0xFFFFC000;
	s26 =	sadd.s32 $0x80, s26;
	s24 =	sadd.s32 $0x80, s24  }
0x3f: {  	[tilespmem:s22], [sflag:$0x1] =	stream.indirect.gather [hbm4b:s4+s21], $0x80, s26, s21, $0xb8;
	[tilespmem:$0x1D080] =	vst v63  }
0x40: {  	p0 =	sne.s32 s25, $0x1;
	s25 =	sadd.s32 $0xFFFFFFFF, s25;
	_ =	swait.ge [sflag:s19], $0x4000  }
.Ltmp4:
0x41: {  	[sflag:s19] =	ssyncset.done $0x0;
	(pc) =	sbr.rel @p0 .LBB2_3-.Ltmp4, $4  }
0x42: {  	[sflag:s19] =	ssyncadd.s32 $0xFFFFC000  }
0x43: {  	[spmem:s1] =	stream.indirect.scatter.add.f32 [tilespmem:s22], [sflag:$0x3], $0x80, s24, s21, $0xb8;
	[tilespmem:$0x1D080] =	vst v63  }
0x44: {  	_ =	swait.ge [sflag:s18], $0x4000  }
0x45: {  	[sflag:s18] =	ssyncset.done $0x0  }
.LBB2_4:
0x46: {  	[sflag:s18] =	ssyncadd.s32 $0xFFFFC000  }
.LBB2_5:
0x47: {  	s24 =	simm.s32 $0x0  }
0x48: {  	[tilespmem:s17], [sflag:$0x3] =	stream.linear.gather [hbm4b:s11+s24], $0x80, $0x38;
	[tilespmem:$0x1D080] =	vst v63  }
0x49: {  	_ =	swait.ge [sflag:s18], $0x80  }
0x4a: {  	[sflag:s18] =	ssyncset.done $0x0  }
0x4b: {  	[sflag:s18] =	ssyncadd.s32 $0xFFFFFF80  }
0x4c: {  	v0 =	vld [tilespmem:$0x5000];
	_ =	sdelay $0x4  }
0x4d: {  	v0 =	vxor.u32 $0x80000000, v0  }
0x4e: {  	(xrf0) =	vmax.scan.msk.u32 $0xffff, v0;
	_ =	sdelay $0x5  }
0x4f: {  	v0, _, _ =	vpop (xrf0)  }
0x50: {  	(v2sf) =	vpush v0, $0xF;
	_ =	sdelay $0xd  }
0x51: {  	[tilespmem:s24], [sflag:$0x3] =	stream.linear.gather [hbm4b:s12+s24], $0x2800, $0x38;
	[tilespmem:$0x1D080] =	vst v63  }
0x52: {  	s25 =	spop (v2sf)  }
0x53: {  	s25 =	sadd.s32 $0x8000007F, s25  }
0x54: {  	s28 =	sand.u32 $0x7F, s25  }
0x55: {  	s26 =	sshra.s32 s25, $0x1F;
	p0 =	slt.s32 s25, $0x1;
	p1 =	sne.s32 s28, $0x0  }
0x56: {  	s26 =	sshrl.u32 s26, $0x19;
	p0 =	por !p0, !p1  }
0x57: {  	s28 =	simm.s32 $0x1;
	s26 =	sadd.s32 s26, s25;
	p0 =	por !p0, !p0  }
0x58: {  	s26 =	sshra.s32 s26, $0x7;
	s28 =	simm.s32 @!p0 $0x0  }
0x59: {  	_ =	swait.ge [sflag:s18], $0x2800;
	s26 =	ssub.s32 s26, s28  }
0x5a: {  	[sflag:s18] =	ssyncset.done $0x0;
	p0 =	slt.s32 s26, $0x1  }
.Ltmp5:
0x5b: {  	[sflag:s18] =	ssyncadd.s32 $0xFFFFD800;
	s25 =	simm.s32 $0x2800;
	(pc) =	sbr.rel @p0 .LBB2_9-.Ltmp5, $4  }
0x5c: {  	[tilespmem:s25], [sflag:$0x3] =	stream.linear.gather [hbm4b:s13+s24], $0x2800, $0x38;
	[tilespmem:$0x1D080] =	vst v63  }
0x5d: {  	_ =	swait.ge [sflag:s18], $0x2800  }
0x5e: {  	[sflag:s18] =	ssyncset.done $0x0  }
0x5f: {  	[sflag:s18] =	ssyncadd.s32 $0xFFFFD800  }
0x60: {  	[tilespmem:s22], [sflag:$0x1] =	stream.indirect.gather [hbm4b:s4+s21], $0x80, s24, s21, $0xb8;
	[tilespmem:$0x1D080] =	vst v63  }
0x61: {  	p0 =	sne.s32 s26, $0x1;
	_ =	swait.ge [sflag:s19], $0x4000  }
.Ltmp6:
0x62: {  	[sflag:s19] =	ssyncset.done $0x0;
	(pc) =	sbr.rel @!p0 .LBB2_8-.Ltmp6, $4  }
0x63: {  	[sflag:s19] =	ssyncadd.s32 $0xFFFFC000  }
0x64: {  	[spmem:s1] =	stream.indirect.scatter.add.f32 [tilespmem:s22], [sflag:$0x3], $0x80, s25, s21, $0xb8;
	[tilespmem:$0x1D080] =	vst v63  }
0x65: {  	_ =	swait.ge [sflag:s18], $0x4000  }
0x66: {  	s26 =	sadd.s32 $0xFFFFFFFF, s26;
	[sflag:s18] =	ssyncset.done $0x0  }
.LBB2_7:
0x67: {  	[sflag:s18] =	ssyncadd.s32 $0xFFFFC000;
	s24 =	sadd.s32 $0x80, s24;
	s25 =	sadd.s32 $0x80, s25  }
0x68: {  	[tilespmem:s22], [sflag:$0x1] =	stream.indirect.gather [hbm4b:s4+s21], $0x80, s24, s21, $0xb8;
	[tilespmem:$0x1D080] =	vst v63  }
0x69: {  	p0 =	sne.s32 s26, $0x1;
	s26 =	sadd.s32 $0xFFFFFFFF, s26;
	_ =	swait.ge [sflag:s19], $0x4000  }
.Ltmp7:
0x6a: {  	[sflag:s19] =	ssyncset.done $0x0;
	(pc) =	sbr.rel @p0 .LBB2_7-.Ltmp7, $4  }
0x6b: {  	[sflag:s19] =	ssyncadd.s32 $0xFFFFC000  }
0x6c: {  	[spmem:s1] =	stream.indirect.scatter.add.f32 [tilespmem:s22], [sflag:$0x3], $0x80, s25, s21, $0xb8;
	[tilespmem:$0x1D080] =	vst v63  }
0x6d: {  	_ =	swait.ge [sflag:s18], $0x4000  }
0x6e: {  	[sflag:s18] =	ssyncset.done $0x0  }
.Ltmp8:
0x6f: {  	_ = 	snop;
	(pc) =	sbr.rel .LBB2_8-.Ltmp8, $1  }
0x70: {  	_ =	sdelay $0x3  }
.LBB2_10:
0x71: {  	_ =	sfence.sel $0x180000  }
0x72: {  	[bflag:$0x0] =	sbarrier.arrive $0xFFFF  }
0x73: {  	p0 =	sne.s32 s2, $0x0;
	_ =	strace $0x9000004D  }
0x74: {  	s0 =	sadd.s32 @!p0 $0x100000, s0;
	[bflag:$0x2] =	sbarrier.arrive $0xFFFF  }
0x75: {  	[sflag:s0] =	ssyncadd.tile.s32 @!p0 $0x1;
	_ =	shalt  }
.Lfunc_end2:
_tile_overlayer_lowered:
.L_overlay_start_2:
0x76: {  	(tag) =	ssettag $0x2  }
0x77: {  	s0 =	rddreg [dreg:$0x0];
	s2 =	stileid.u32  }
0x78: {  	s1 =	rddreg [dreg:$0x1];
	p0 =	sne.s32 s2, $0x0  }
0x79: {  	s3 =	rddreg [dreg:$0x2];
	[bflag:$0x3] =	sbarrier.arrive $0xFFFF;
	s2 =	simm.s32 @!p0 $0x1C03  }
0x7a: {  	[timem:s3], [sflag:s2] =	dma.local @!p0 [hbm:s0], s1  }
0x7b: {  	s0 =	simm.s32 @!p0 $0x3  }
0x7c: {  	_ =	swait.ge @!p0 [sflag:s0], s1  }
0x7d: {  	s1 =	ssub.s32 @!p0 $0x0, s1;
	[sflag:s0] =	ssyncset.done @!p0 $0x0  }
0x7e: {  	[sflag:s0] =	ssyncadd.s32 @!p0 s1  }
0x7f: {  	[bflag:$0x3] =	sbarrier.arrive $0xFFFF  }
0x80: {  	_ =	shalt  }

// kernel: kernel.8.cloned.1.call-start
scs
__scs_entry_jumppad:
0x0: {  	(pc) =	sbr.rel $0x88, $3  }
0x1: {  	(tag) =	ssettag $0x0;
	lr =	simm.s32 $0x1  }
0x2: {  	[smem:$0x3F98] =	sst lr;
	_ =	strace $0xD0000000  }
0x3: {  	_ = 	snop  }
0x4: {  	_ = 	snop  }
0x5: {  	_ = 	snop  }
0x6: {  	_ = 	snop  }
0x7: {  	_ = 	snop  }
__scs_overlays_trampoline_lowered:
0x8: {  	[smem:$0x3FA7] =	sst s0  }
0x9: {  	[smem:$0x3FA8] =	sst s1  }
0xa: {  	[smem:$0x3FA9] =	sst s2  }
0xb: {  	[smem:$0x3FAA] =	sst s3  }
0xc: {  	[smem:$0x3FAB] =	sst s4  }
0xd: {  	[smem:$0x3FAC] =	sst s5  }
0xe: {  	[smem:$0x3FAD] =	sst s6  }
0xf: {  	[smem:$0x3FAE] =	sst s7  }
0x10: {  	[smem:$0x3FAF] =	sst s8  }
0x11: {  	[smem:$0x3FB0] =	sst s9;
	s0 =	simm.s32 @!p0 $0x0  }
0x12: {  	s1 =	sld [smem:$0x3F96];
	s0 =	simm.s32 @p0 $0x1  }
0x13: {  	[smem:$0x3FB1] =	sst s0;
	s0 =	simm.s32 @!p1 $0x0  }
0x14: {  	s2 =	sld [smem:$0x3F95];
	s0 =	simm.s32 @p1 $0x1  }
0x15: {  	[smem:$0x3FB2] =	sst s0;
	s0 =	simm.s32 @!p2 $0x0  }
0x16: {  	s3 =	sld [smem:$0x3FDB];
	s0 =	simm.s32 @p2 $0x1  }
0x17: {  	s4 =	simm.s32 $0x1BF5;
	[smem:$0x3FB4] =	sst s0  }
0x18: {  	s0 =	sld [smem:$0x3F97];
	_ =	swait.ge [sflag:s4], $0x0  }
0x19: {  	s7 =	sld [smem:$0x3F98]  }
0x1a: {  	s8 =	sadd.s32 $0xFFFFE003, lr  }
0x1b: {  	s9 =	sadd.s32 $0xFFFFFEF7, lr;
	s5 =	simm.s32 $0xFFFFFFFF;
	p2 =	slt.u32 s8, $0xFFFFF086  }
0x1c: {  	p1 =	slt.u32 s9, $0xF7A;
	s5 =	simm.s32 @!p2 $0x0  }
0x1d: {  	s5 =	simm.s32 @p1 $0x1;
	p0 =	seq.s32 s7, s2  }
0x1e: {  	s7 =	smul.u32 @!p0 $0xF7A, s2;
	p2 =	seq.s32 @!p0 s5, $0x0  }
0x1f: {  	s9 =	smul.u32 $0xF7A, s1;
	s8 =	simm.s32 @!p0 $0x1BF5;
	p2 =	por !p2, p0  }
0x20: {  	[sflag:s8] =	ssyncset.s32 @!p0 $0xFFFFF086;
	s6 =	sadd.s32 @!p0 s3, s7;
	s7 =	simm.s32 @!p0 $0x108  }
0x21: {  	s3 =	sadd.s32 s3, s9;
	s6 =	sadd.s32 @!p0 $0x88, s6;
	s7 =	simm.s32 @p2 $0x1082  }
0x22: {  	[simem:s7], [sflag:s8] =	dma.local @!p0 [hbm:s6], $0xF7A  }
0x23: {  	s9 =	sor.u32 $0xD0000000, s2;
	s6 =	simm.s32 $0x108;
	_ =	swait.ge @!p0 [sflag:s8], $0x0  }
0x24: {  	s3 =	sadd.s32 $0x88, s3;
	s6 =	simm.s32 @!p1 $0x1082;
	[sflag:s4] =	ssyncset.s32 $0xFFFFF086  }
0x25: {  	[simem:s6], [sflag:s4] =	dma.local [hbm:s3], $0xF7A  }
0x26: {  	[smem:$0x3F98] =	sst s1;
	(tag) =	ssettag s2;
	_ =	strace s9  }
0x27: {  	s1 =	sld [smem:$0x3FA8]  }
0x28: {  	s2 =	sld [smem:$0x3FA9]  }
0x29: {  	s4 =	sld [smem:$0x3FAB]  }
0x2a: {  	p0 =	seq.s32 s5, $0x0;
	s5 =	sld [smem:$0x3FAC]  }
0x2b: {  	s6 =	sld [smem:$0x3FAD]  }
0x2c: {  	s7 =	sld [smem:$0x3FAE]  }
0x2d: {  	s3 =	simm.s32 $0x108;
	s8 =	sld [smem:$0x3FAF]  }
0x2e: {  	s3 =	simm.s32 @!p0 $0x1082;
	s9 =	sld [smem:$0x3FB0]  }
0x2f: {  	lr =	sadd.s32 s0, s3;
	s0 =	sld [smem:$0x3FA7]  }
0x30: {  	s3 =	sld [smem:$0x3FAA]  }
0x31: {  	[smem:$0x3FB3] =	sst s10  }
0x32: {  	s10 =	sld [smem:$0x3FB1];
	_ =	sdelay $0x3  }
0x33: {  	p0 =	seq.s32 s10, $0x1;
	s10 =	sld [smem:$0x3FB3];
	_ =	sdelay $0x3  }
0x34: {  	[smem:$0x3FB3] =	sst s10  }
0x35: {  	s10 =	sld [smem:$0x3FB2];
	_ =	sdelay $0x3  }
0x36: {  	p1 =	seq.s32 s10, $0x1;
	s10 =	sld [smem:$0x3FB3];
	_ =	sdelay $0x3  }
0x37: {  	[smem:$0x3FB3] =	sst s10  }
0x38: {  	s10 =	sld [smem:$0x3FB4]  }
0x39: {  	_ = 	snop;
	(pc) =	sbr.ind lr, $3  }
0x3a: {  	_ = 	snop  }
0x3b: {  	_ = 	snop  }
0x3c: {  	p2 =	seq.s32 s10, $0x1;
	s10 =	sld [smem:$0x3FB3]  }
0x3d: {  	_ =	shalt  }
0x3e: {  	_ =	shalt  }
0x3f: {  	_ =	shalt  }
0x40: {  	_ =	shalt  }
0x41: {  	_ =	shalt  }
0x42: {  	_ =	shalt  }
0x43: {  	_ =	shalt  }
0x44: {  	_ =	shalt  }
0x45: {  	_ =	shalt  }
0x46: {  	_ =	shalt  }
0x47: {  	_ =	shalt  }
0x48: {  	_ =	shalt  }
0x49: {  	_ =	shalt  }
0x4a: {  	_ =	shalt  }
0x4b: {  	_ =	shalt  }
0x4c: {  	_ =	shalt  }
0x4d: {  	_ =	shalt  }
0x4e: {  	_ =	shalt  }
0x4f: {  	_ =	shalt  }
0x50: {  	_ =	shalt  }
0x51: {  	_ =	shalt  }
0x52: {  	_ =	shalt  }
0x53: {  	_ =	shalt  }
0x54: {  	_ =	shalt  }
0x55: {  	_ =	shalt  }
0x56: {  	_ =	shalt  }
0x57: {  	_ =	shalt  }
0x58: {  	_ =	shalt  }
0x59: {  	_ =	shalt  }
0x5a: {  	_ =	shalt  }
0x5b: {  	_ =	shalt  }
0x5c: {  	_ =	shalt  }
0x5d: {  	_ =	shalt  }
0x5e: {  	_ =	shalt  }
0x5f: {  	_ =	shalt  }
0x60: {  	_ =	shalt  }
0x61: {  	_ =	shalt  }
0x62: {  	_ =	shalt  }
0x63: {  	_ =	shalt  }
0x64: {  	_ =	shalt  }
0x65: {  	_ =	shalt  }
0x66: {  	_ =	shalt  }
0x67: {  	_ =	shalt  }
0x68: {  	_ =	shalt  }
0x69: {  	_ =	shalt  }
0x6a: {  	_ =	shalt  }
0x6b: {  	_ =	shalt  }
0x6c: {  	_ =	shalt  }
0x6d: {  	_ =	shalt  }
0x6e: {  	_ =	shalt  }
0x6f: {  	_ =	shalt  }
0x70: {  	_ =	shalt  }
0x71: {  	_ =	shalt  }
0x72: {  	_ =	shalt  }
0x73: {  	_ =	shalt  }
0x74: {  	_ =	shalt  }
0x75: {  	_ =	shalt  }
0x76: {  	_ =	shalt  }
0x77: {  	_ =	shalt  }
0x78: {  	_ =	shalt  }
0x79: {  	_ =	shalt  }
0x7a: {  	_ =	shalt  }
0x7b: {  	_ =	shalt  }
0x7c: {  	_ =	shalt  }
0x7d: {  	_ =	shalt  }
0x7e: {  	_ =	shalt  }
0x7f: {  	_ =	shalt  }
0x80: {  	_ =	shalt  }
0x81: {  	_ =	shalt  }
0x82: {  	_ =	shalt  }
0x83: {  	_ =	shalt  }
0x84: {  	_ =	shalt  }
0x85: {  	_ =	shalt  }
0x86: {  	_ =	shalt  }
0x87: {  	_ =	shalt  }
.Lfunc_end0:
.L_simem_size_0:
called_computation_lowered:
.L_overlay_start_0:
0x88: {  	s2 =	sld [smem:$0x3FD9]  }
0x89: {  	s3 =	sld [smem:$0x3FFE];
	_ =	sdelay $0x1  }
0x8a: {  	s1 =	srdreg.scid  }
0x8b: {  	s0 =	sand.u32 $0x1, s1  }
0x8c: {  	s17 =	sshll.u32 s0, $0xA;
	s2 =	sadd.s32 s3, s2  }
0x8d: {  	s2 =	sadd.s32 s2, s17  }
0x8e: {  	[smem:$0x3FBF] =	sst s2  }
0x8f: {  	_ = 	snop  }
0x90: {  	s2 =	sld [smem:$0x3FD0];
	(tm) =	ssettm $0x1  }
0x91: {  	s18 =	sld [smem:$0x3FFB];
	_ =	sdelay $0x3  }
0x92: {  	_ =	strace s18  }
0x93: {  	s3 =	sld [smem:$0x3FFC];
	_ =	sdelay $0x3  }
0x94: {  	_ =	strace s3  }
0x95: {  	s3 =	sld [smem:$0x3FFD];
	_ =	sdelay $0x3  }
0x96: {  	_ =	strace s3  }
0x97: {  	_ =	strace $0x8FFFFFFF  }
0x98: {  	s19 =	sld [smem:$0x3FDB];
	_ =	sdelay $0x1  }
0x99: {  	s4 =	simm.s32 $_scs_section_size  }
0x9a: {  	s5 =	simm.s32 $_size__tile_overlayer_lowered;
	s6 =	simm.s32 $_tile_overlayer_lowered  }
0x9b: {  	s22 =	simm.s32 $0x1BFF;
	s21 =	sshll.u32 s6, $0x1;
	s3 =	sadd.s32 s4, s19  }
0x9c: {  	s7 =	simm.s32 $0x0;
	s20 =	sshll.u32 s5, $0x1;
	s5 =	sadd.s32 s21, s3  }
0x9d: {  	[timem:s7], [sflag:s22] =	dma.local [hbm:s5], s20  }
0x9e: {  	_ =	swait.ge [sflag:s22], s20  }
0x9f: {  	s4 =	ssub.s32 $0x0, s20;
	[sflag:s22] =	ssyncset.done $0x0  }
0xa0: {  	[sflag:s22] =	ssyncadd.s32 s4;
	_ =	sdelay $0x1  }
0xa1: {  	s23 =	simm.s32 $0x1B8B  }
0xa2: {  	_ =	swait.ge [sflag:s23], $0x1  }
0xa3: {  	[sflag:s23] =	ssyncset.done $0x0  }
0xa4: {  	s25 =	simm.s32 $0x1B8E;
	s24 =	sld [smem:$0x3FFE];
	[sflag:s23] =	ssyncadd.s32 $0xFFFFFFFF  }
0xa5: {  	s26 =	simm.s32 $execute0_lowered;
	[smem:$0x3FD2] =	sst s25  }
0xa6: {  	s5 =	sshll.u32 s26, $0x1;
	_ =	strace $0x80000046;
	[dreg:$0x1] =	wrdreg $0xFFFFFFFF  }
0xa7: {  	s28 =	simm.s32 $_size_execute0_lowered;
	s3 =	sadd.s32 s3, s5;
	[dreg:$0x0] =	wrdreg $0x0  }
0xa8: {  	s5 =	sshll.u32 s28, $0x1;
	[dreg:$0x2] =	wrdreg s3  }
0xa9: {  	[dreg:$0x3] =	wrdreg s5  }
0xaa: {  	[dreg:$0x4] =	wrdreg $0xC0  }
0xab: {  	_ =	task [dreg:s7], $0x5FFFF  }
0xac: {  	[dreg:$0x1] =	wrdreg $0xFFFFFFFF  }
0xad: {  	[dreg:$0x0] =	wrdreg $0x60  }
0xae: {  	[dreg:$0x2] =	wrdreg s2  }
0xaf: {  	[dreg:$0x3] =	wrdreg s24  }
0xb0: {  	[dreg:$0x4] =	wrdreg $0x9  }
0xb1: {  	_ =	task.clear_ibuf [dreg:s7], $0x5FFFF;
	_ =	strace $0x90000046  }
0xb2: {  	s29 =	simm.s32 $0x9;
	_ =	strace $0x80000048  }
0xb3: {  	_ =	swait.ge [sflag:s29], $0x1  }
0xb4: {  	[sflag:s29] =	ssyncadd.s32 $0xFFFFFFFF  }
0xb5: {  	_ =	strace $0x90000048  }
0xb6: {  	_ =	sfence  }
0xb7: {  	s30 =	sld [smem:$0x0];
	_ =	sdelay $0x2  }
0xb8: {  	s31 =	sshll.u32 s1, $0xD;
	s1 =	sshrl.u32 s1, $0x2  }
0xb9: {  	s3 =	sand.u32 $0x4000, s31;
	s1 =	sadd.s32 s1, s30  }
0xba: {  	s0 =	sor.u32 s3, s0;
	s1 =	sshll.u32 s1, $0x11  }
0xbb: {  	s0 =	sor.u32 s1, s0  }
0xbc: {  	s0 =	sadd.s32 $0x8F2B, s0  }
0xbd: {  	[sflag:s0] =	ssyncadd.remote.s32 $0x1  }
0xbe: {  	_ =	sfence.sel $0xFFFF  }
0xbf: {  	[dreg:$0x0] =	wrdreg $0xFFFFFFFF;
	(pc) =	sbr.abs _section_cstart, $3  }
0xc0: {  	[dreg:$0x1] =	wrdreg $0xFFFFFFFF  }
0xc1: {  	_ =	task.clear_ibuf [dreg:s7], $0x2FFFF;
	_ =	strace $0x9FFFFFFF  }
0xc2: {  	(tm) =	ssettm $0x7FFFFFFF  }
0xc3: {  	_ =	shalt  }
tec
execute0_lowered:
.L_overlay_start_1:
0x0: {  	(tag) =	ssettag $0x1  }
0x1: {  	s4 =	rddreg [dreg:$0x0]  }
0x2: {  	s0 =	srdreg.scid;
	s5 =	rddreg [dreg:$0x1];
	s2 =	simm.s32 $0x0  }
0x3: {  	s16 =	simm.s32 $0x7680;
	s17 =	simm.s32 $0x9F00;
	s18 =	simm.s32 $0xC780  }
0x4: {  	s19 =	simm.s32 $0xF000;
	s20 =	simm.s32 $0x80;
	s21 =	simm.s32 $0x400  }
0x5: {  	s22 =	simm.s32 $0x11880;
	s23 =	simm.s32 $0x0;
	s3 =	sand.u32 $0x1, s0  }
0x6: {  	s0 =	stileid.u32;
	[smem:$0x7FF] =	sst s2;
	s9 =	sadd.s32 $0x16200, s5  }
0x7: {  	s10 =	sadd.s32 $0x2A200, s5;
	s11 =	sadd.s32 $0x3E200, s5;
	s1 =	sshll.u32 s3, $0x4  }
0x8: {  	s3 =	ssub.s32 $0x2, s3;
	s28 =	sshll.u32 s0, $0x7;
	s6 =	sor.u32 s0, s1  }
0x9: {  	s1 =	rddreg [dreg:$0x2];
	_ =	strace $0x80000047;
	s26 =	sshrl.u32 s3, $0x1  }
0xa: {  	s29 =	sand.u32 $0x380, s28;
	s7 =	smul.u32 $0x4F0, s6;
	s6 =	sshrl.u32 s6, $0x3  }
0xb: {  	s12 =	ssub.s32 s3, s26;
	s13 =	smul.u32 $0x14000, s6;
	s6 =	sshll.u32 s6, $0xA  }
0xc: {  	s12 =	smax.u32 s12, $0x1;
	s8 =	sadd.s32 s7, s5;
	s3 =	sadd.s32 s4, s7  }
0xd: {  	s7 =	sor.u32 s29, s6;
	s4 =	sadd.s32 $0xC400, s8;
	s30 =	sor.u32 s29, s13  }
0xe: {  	s5 =	sadd.s32 $0x2600, s8;
	s15 =	sshrl.u32 s7, $0x3;
	s13 =	sshrl.u32 s30, $0x3  }
0xf: {  	s8 =	sadd.s32 $0x50000, s30;
	s31 =	sor.u32 $0x200, s15;
	s6 =	sadd.s32 s9, s13  }
0x10: {  	s14 =	sshrl.u32 s8, $0x3;
	s7 =	sadd.s32 s10, s13;
	s13 =	simm.s32 $0x1  }
0x11: {  	v1 =	vlaneseq.u32;
	s8 =	sadd.s32 s9, s14;
	s9 =	sadd.s32 s10, s14;
	s10 =	sadd.s32 s11, s15  }
0x12: {  	v0 =	vimm.s32 $0x0;
	v2 =	vimm.s32 $0x2710;
	v1 =	vor.u32 $0x2800, v1;
	s11 =	sadd.s32 s11, s31;
	s14 =	simm.s32 $0x2780;
	s15 =	simm.s32 $0x4F00  }
.LBB2_1:
0x13: {  	[tilespmem:s2], [sflag:$0x1] =	stream.linear.gather [hbm4b:s3+s2], $0x2780, $0x38;
	[tilespmem:$0x11900] =	vst v63  }
0x14: {  	_ =	swait.ge [sflag:s13], $0x2780  }
0x15: {  	[sflag:s13] =	ssyncset.done $0x0  }
0x16: {  	[sflag:s13] =	ssyncadd.s32 $0xFFFFD880  }
0x17: {  	[tilespmem:s14], [sflag:$0x1] =	stream.linear.gather [hbm4b:s4+s2], $0x2780, $0x38;
	[tilespmem:$0x11900] =	vst v63  }
0x18: {  	_ =	swait.ge [sflag:s13], $0x2780  }
0x19: {  	[sflag:s13] =	ssyncset.done $0x0  }
0x1a: {  	[sflag:s13] =	ssyncadd.s32 $0xFFFFD880  }
0x1b: {  	[tilespmem:s15], [sflag:$0x1] =	stream.linear.gather [hbm4b:s5+s2], $0x2780, $0x38;
	[tilespmem:$0x11900] =	vst v63  }
0x1c: {  	_ =	swait.ge [sflag:s13], $0x2780  }
0x1d: {  	[sflag:s13] =	ssyncset.done $0x0  }
0x1e: {  	s24 =	simm.s32 $0x0;
	[sflag:s13] =	ssyncadd.s32 $0xFFFFD880  }
0x1f: {  	v3 =	vld [tilespmem:s24+$0x4F00];
	_ =	sdelay $0x4  }
0x20: {  	vm0 =	veq.s32 v3, $0x1  }
0x21: {  	v4 =	vsel vm0, $0x1, v0  }
0x22: {  	vm1 =	veq.s32 v3, $0x2;
	(xrf0) =	vadd.scan.msk.s32 $0xffff, v4  }
0x23: {  	v3 =	vsel vm1, $0x1, v0  }
0x24: {  	(xrf0) =	vadd.scan.msk.s32 $0xffff, v3  }
0x25: {  	v3 =	vmov s2  }
0x26: {  	v3 =	vadd.s32 $0xFFFFFFFF, v3  }
0x27: {  	v3 =	vbroadcast v3, $0x0  }
0x28: {  	v4, _, _ =	vpop (xrf0)  }
0x29: {  	v5 =	vadd.s32 v4, v3;
	(v2sf) =	vpush v4, $0xF  }
0x2a: {  	v6 =	vld [tilespmem:s24+$0x0];
	v7, _, _ =	vpop (xrf0);
	v5 =	vsel vm0, v5, v1  }
0x2b: {  	v8 =	vld [tilespmem:s24+$0x2780];
	v3 =	vadd.s32 v7, v3;
	(v2sf) =	vpush v7, $0xF  }
0x2c: {  	v3 =	vsel vm1, v3, v1;
	_ =	sdelay $0x2  }
0x2d: {  	[tilespmem:v5+s16+$0x0] =	vst.idx.msk $0xffff, v6  }
0x2e: {  	v63 =	vadd.s32 $0x2800, v6;
	[tilespmem:v5+s17+$0x0] =	vst.idx.msk $0xffff, v8  }
0x2f: {  	s28 =	simm.s32 $0x10;
	[tilespmem:v3+s18+$0x0] =	vst.idx.msk $0xffff, v63  }
0x30: {  	s26 =	simm.s32 $0x80;
	s25 =	simm.s32 $0x0;
	s24 =	simm.s32 $0x0;
	[tilespmem:v3+s19+$0x0] =	vst.idx.msk $0xffff, v8  }
.LBB2_2:
0x31: {  	p0 =	sne.s32 s26, $0x9DC0;
	v3 =	vld [tilespmem:s28+$0x4F00]  }
0x32: {  	v4 =	vld [tilespmem:s28+$0x0]  }
0x33: {  	v5 =	vld [tilespmem:s28+$0x2780];
	_ =	sdelay $0x2  }
0x34: {  	vm1 =	veq.s32 v3, $0x1;
	vm0 =	veq.s32 v3, $0x2;
	s28 =	spop (v2sf)  }
0x35: {  	v3 =	vsel vm1, $0x1, v0;
	s25 =	sadd.s32 s25, s28  }
0x36: {  	v6 =	vmov s25;
	(xrf0) =	vadd.scan.msk.s32 $0xffff, v3;
	s28 =	spop (v2sf)  }
0x37: {  	v3 =	vsel vm0, $0x1, v0;
	v6 =	vadd.s32 $0xFFFFFFFF, v6;
	s24 =	sadd.s32 s24, s28  }
0x38: {  	v6 =	vbroadcast v6, $0x0;
	(xrf0) =	vadd.scan.msk.s32 $0xffff, v3;
	_ =	sdelay $0x2  }
0x39: {  	v3 =	vmov s24  }
0x3a: {  	v3 =	vadd.s32 $0xFFFFFFFF, v3;
	v7, _, _ =	vpop (xrf0)  }
0x3b: {  	v3 =	vbroadcast v3, $0x0;
	v6 =	vadd.s32 v7, v6;
	(v2sf) =	vpush v7, $0xF  }
0x3c: {  	v6 =	vsel vm1, v6, v1;
	v7, _, _ =	vpop (xrf0)  }
0x3d: {  	v3 =	vadd.s32 v7, v3;
	(v2sf) =	vpush v7, $0xF  }
0x3e: {  	v3 =	vsel vm0, v3, v1;
	_ =	sdelay $0x1  }
.Ltmp0:
0x3f: {  	(pc) =	sbr.rel @p0 .LBB2_2-.Ltmp0, $4  }
0x40: {  	[tilespmem:v6+s16+$0x0] =	vst.idx.msk $0xffff, v4  }
0x41: {  	v4 =	vadd.s32 $0x2800, v4;
	[tilespmem:v6+s17+$0x0] =	vst.idx.msk $0xffff, v5  }
0x42: {  	[tilespmem:v3+s18+$0x0] =	vst.idx.msk $0xffff, v4  }
0x43: {  	s28 =	sshra.s32 s26, $0x2;
	s26 =	sadd.s32 $0x40, s26;
	[tilespmem:v3+s19+$0x0] =	vst.idx.msk $0xffff, v5  }
0x44: {  	v3 =	vld [tilespmem:s28+$0x4F00];
	_ =	sdelay $0x4  }
0x45: {  	vm0 =	veq.s32 v3, $0x1  }
0x46: {  	v4 =	vsel vm0, $0x1, v0  }
0x47: {  	vm1 =	veq.s32 v3, $0x2;
	(xrf0) =	vadd.scan.msk.s32 $0xffff, v4  }
0x48: {  	v3 =	vsel vm1, $0x1, v0  }
0x49: {  	(xrf0) =	vadd.scan.msk.s32 $0xffff, v3;
	_ =	sdelay $0x3  }
0x4a: {  	v3, _, _ =	vpop (xrf0)  }
0x4b: {  	(v2sf) =	vpush v3, $0xF  }
0x4c: {  	s26 =	spop (v2sf);
	v61, _, _ =	vpop (xrf0)  }
0x4d: {  	s25 =	sadd.s32 s25, s26;
	(v2sf) =	vpush v61, $0xF  }
0x4e: {  	s29 =	spop (v2sf);
	v5 =	vmov s25  }
0x4f: {  	s24 =	sadd.s32 s24, s29;
	v5 =	vadd.s32 $0xFFFFFFFF, v5  }
0x50: {  	v5 =	vbroadcast v5, $0x0;
	v6 =	vmov s24  }
0x51: {  	v6 =	vadd.s32 $0xFFFFFFFF, v6  }
0x52: {  	v62 =	vbroadcast v6, $0x0;
	v3 =	vadd.s32 v3, v5  }
0x53: {  	v63 =	vld [tilespmem:s28+$0x0];
	v3 =	vsel vm0, v3, v1  }
0x54: {  	v7 =	vld [tilespmem:s28+$0x2780];
	v4 =	vadd.s32 v61, v62  }
0x55: {  	v4 =	vsel vm1, v4, v1;
	_ =	sdelay $0x2  }
0x56: {  	[tilespmem:v3+s16+$0x0] =	vst.idx.msk $0xffff, v63  }
0x57: {  	[tilespmem:v3+s17+$0x0] =	vst.idx.msk $0xffff, v7;
	v3 =	vadd.s32 $0x2800, v63  }
0x58: {  	[tilespmem:v4+s18+$0x0] =	vst.idx.msk $0xffff, v3;
	s30 =	spop (v2sf)  }
0x59: {  	[tilespmem:v4+s19+$0x0] =	vst.idx.msk $0xffff, v7;
	s25 =	sadd.s32 s25, s30  }
0x5a: {  	s31 =	spop (v2sf);
	[tilespmem:s25+$0x7680] =	vst v0  }
0x5b: {  	s24 =	sadd.s32 s24, s31;
	[tilespmem:s25+$0x9F00] =	vst v2  }
0x5c: {  	[tilespmem:s24+$0xC780] =	vst v0  }
0x5d: {  	[tilespmem:s24+$0xF000] =	vst v2  }
0x5e: {  	[tilespmem:s25+$0x7690] =	vst v0  }
0x5f: {  	[tilespmem:s25+$0x9F10] =	vst v2  }
0x60: {  	[tilespmem:s24+$0xC790] =	vst v0  }
0x61: {  	[tilespmem:s24+$0xF010] =	vst v2  }
0x62: {  	[tilespmem:s25+$0x76A0] =	vst v0  }
0x63: {  	[tilespmem:s25+$0x9F20] =	vst v2  }
0x64: {  	[tilespmem:s24+$0xC7A0] =	vst v0  }
0x65: {  	[tilespmem:s24+$0xF020] =	vst v2  }
0x66: {  	[tilespmem:s25+$0x76B0] =	vst v0  }
0x67: {  	[tilespmem:s25+$0x9F30] =	vst v2  }
0x68: {  	[tilespmem:s24+$0xC7B0] =	vst v0  }
0x69: {  	[tilespmem:s24+$0xF030] =	vst v2  }
0x6a: {  	[tilespmem:s25+$0x76C0] =	vst v0  }
0x6b: {  	[tilespmem:s25+$0x9F40] =	vst v2  }
0x6c: {  	[tilespmem:s24+$0xC7C0] =	vst v0  }
0x6d: {  	[tilespmem:s24+$0xF040] =	vst v2  }
0x6e: {  	[tilespmem:s25+$0x76D0] =	vst v0  }
0x6f: {  	[tilespmem:s25+$0x9F50] =	vst v2  }
0x70: {  	[tilespmem:s24+$0xC7D0] =	vst v0  }
0x71: {  	[tilespmem:s24+$0xF050] =	vst v2  }
0x72: {  	[tilespmem:s25+$0x76E0] =	vst v0  }
0x73: {  	[tilespmem:s25+$0x9F60] =	vst v2  }
0x74: {  	[tilespmem:s24+$0xC7E0] =	vst v0  }
0x75: {  	[tilespmem:s24+$0xF060] =	vst v2  }
0x76: {  	[tilespmem:s25+$0x76F0] =	vst v0  }
0x77: {  	[tilespmem:s25+$0x9F70] =	vst v2  }
0x78: {  	[tilespmem:s24+$0xC7F0] =	vst v0  }
0x79: {  	[tilespmem:s24+$0xF070] =	vst v2  }
0x7a: {  	[hbm4b:s6+s20] =	stream.strided.scatter [tilespmem:s16], [sflag:$0x1], $0x2800, s21, s20, $0x38;
	[tilespmem:$0x11900] =	vst v63  }
0x7b: {  	_ =	swait.ge [sflag:s13], $0x2800  }
0x7c: {  	[sflag:s13] =	ssyncset.done $0x0  }
0x7d: {  	[sflag:s13] =	ssyncadd.s32 $0xFFFFD800  }
0x7e: {  	[hbm4b:s7+s20] =	stream.strided.scatter [tilespmem:s17], [sflag:$0x1], $0x2800, s21, s20, $0x38;
	[tilespmem:$0x11900] =	vst v63  }
0x7f: {  	_ =	swait.ge [sflag:s13], $0x2800  }
0x80: {  	[sflag:s13] =	ssyncset.done $0x0  }
0x81: {  	[sflag:s13] =	ssyncadd.s32 $0xFFFFD800  }
0x82: {  	[hbm4b:s8+s20] =	stream.strided.scatter [tilespmem:s18], [sflag:$0x1], $0x2800, s21, s20, $0x38;
	[tilespmem:$0x11900] =	vst v63  }
0x83: {  	_ =	swait.ge [sflag:s13], $0x2800  }
0x84: {  	[sflag:s13] =	ssyncset.done $0x0  }
0x85: {  	[sflag:s13] =	ssyncadd.s32 $0xFFFFD800  }
0x86: {  	[hbm4b:s9+s20] =	stream.strided.scatter [tilespmem:s19], [sflag:$0x1], $0x2800, s21, s20, $0x38;
	[tilespmem:$0x11900] =	vst v63  }
0x87: {  	_ =	swait.ge [sflag:s13], $0x2800  }
0x88: {  	[sflag:s13] =	ssyncset.done $0x0  }
0x89: {  	v3 =	vmov s25;
	[sflag:s13] =	ssyncadd.s32 $0xFFFFD800  }
0x8a: {  	[tilespmem:$0x11880] =	vst v3  }
0x8b: {  	[hbm4b:s10+s2] =	stream.linear.scatter [tilespmem:s22], [sflag:$0x1], $0x80, $0x38;
	[tilespmem:$0x11900] =	vst v63  }
0x8c: {  	_ =	swait.ge [sflag:s13], $0x80  }
0x8d: {  	s23 =	sadd.s32 $0x1, s23;
	[sflag:s13] =	ssyncset.done $0x0  }
0x8e: {  	p0 =	sne.s32 s23, s12;
	v3 =	vmov s24;
	[sflag:s13] =	ssyncadd.s32 $0xFFFFFF80  }
.Ltmp1:
0x8f: {  	[tilespmem:$0x11880] =	vst v3;
	(pc) =	sbr.rel @p0 .LBB2_1-.Ltmp1, $4  }
0x90: {  	[hbm4b:s11+s2] =	stream.linear.scatter [tilespmem:s22], [sflag:$0x1], $0x80, $0x38;
	[tilespmem:$0x11900] =	vst v63  }
0x91: {  	_ =	swait.ge [sflag:s13], $0x80  }
0x92: {  	[sflag:s13] =	ssyncset.done $0x0  }
0x93: {  	[sflag:s13] =	ssyncadd.s32 $0xFFFFFF80  }
0x94: {  	_ =	sfence.sel $0x180000  }
0x95: {  	[bflag:$0x0] =	sbarrier.arrive $0xFFFF  }
0x96: {  	p0 =	sne.s32 s0, $0x0;
	_ =	strace $0x90000047  }
0x97: {  	s0 =	sadd.s32 @!p0 $0x100000, s1;
	[bflag:$0x2] =	sbarrier.arrive $0xFFFF  }
0x98: {  	[sflag:s0] =	ssyncadd.tile.s32 @!p0 $0x1;
	_ =	shalt  }
.Lfunc_end2:
_tile_overlayer_lowered:
.L_overlay_start_2:
0x99: {  	(tag) =	ssettag $0x2  }
0x9a: {  	s0 =	rddreg [dreg:$0x0];
	s2 =	stileid.u32  }
0x9b: {  	s1 =	rddreg [dreg:$0x1];
	p0 =	sne.s32 s2, $0x0  }
0x9c: {  	s3 =	rddreg [dreg:$0x2];
	[bflag:$0x3] =	sbarrier.arrive $0xFFFF;
	s2 =	simm.s32 @!p0 $0x1C01  }
0x9d: {  	[timem:s3], [sflag:s2] =	dma.local @!p0 [hbm:s0], s1  }
0x9e: {  	s0 =	simm.s32 @!p0 $0x1  }
0x9f: {  	_ =	swait.ge @!p0 [sflag:s0], s1  }
0xa0: {  	s1 =	ssub.s32 @!p0 $0x0, s1;
	[sflag:s0] =	ssyncset.done @!p0 $0x0  }
0xa1: {  	[sflag:s0] =	ssyncadd.s32 @!p0 s1  }
0xa2: {  	[bflag:$0x3] =	sbarrier.arrive $0xFFFF  }
0xa3: {  	_ =	shalt  }

</sc_bundles>
